<compile_context>
chip_gen: v7x
topology: tpu7x:2x2x1
jax: 0.10.2.dev20260603
libtpu: 0.0.44.dev20260713+nightly
codegen_flags: <defaults>
</compile_context>

<pallas_src>
import functools

import jax
import jax.numpy as jnp
from jax import lax
from jax.experimental import pallas as pl
from jax.experimental.pallas import tpu as pltpu
from jax.experimental.pallas import tpu_sc as plsc

NC = 2
NS = 16
NW = NC * NS
CHUNK = 80


def _mesh():
    return plsc.VectorSubcoreMesh(core_axis_name="c", subcore_axis_name="s")


def _deg_body(n, nch, dst_hbm, zero_hbm, out_hbm, idx_v, ones_v, acc_sh, sem):
    c = lax.axis_index("c")
    s = lax.axis_index("s")
    wid = s * NC + c

    pltpu.sync_copy(dst_hbm.at[wid], idx_v)
    for i in range(CHUNK // 16):
        ones_v[pl.ds(i * 16, 16)] = jnp.ones((16,), jnp.float32)

    @pl.when(s == 0)
    def _():
        pltpu.sync_copy(zero_hbm, acc_sh)

    plsc.subcore_barrier()

    def body(j, carry):
        pltpu.sync_copy(ones_v, acc_sh.at[idx_v.at[j]], add=True)
        return carry

    lax.fori_loop(0, nch, body, 0)
    plsc.subcore_barrier()

    @pl.when(s == 0)
    def _():
        pltpu.sync_copy(acc_sh, out_hbm.at[c])


def _agg_body(nch, goffs_hbm, soffs_hbm, h_hbm, zero_hbm, out_hbm,
              gv, sv, rows_v, h_sh, acc_sh, sem):
    c = lax.axis_index("c")
    s = lax.axis_index("s")
    wid = s * NC + c

    @pl.when(s == 0)
    def _():
        pltpu.sync_copy(zero_hbm, acc_sh)
        pltpu.sync_copy(h_hbm, h_sh)

    plsc.subcore_barrier()

    def body(j, carry):
        pltpu.sync_copy(goffs_hbm.at[wid, j], gv)
        pltpu.sync_copy(soffs_hbm.at[wid, j], sv)
        pltpu.async_copy(h_sh.at[gv.at[0]], rows_v, sem).wait()
        pltpu.sync_copy(rows_v, acc_sh.at[sv.at[0]], add=True)
        return carry

    lax.fori_loop(0, nch, body, 0)
    plsc.subcore_barrier()

    @pl.when(s == 0)
    def _():
        pltpu.sync_copy(acc_sh, out_hbm.at[c])


def _make_deg(n, e):
    nch = e // (NW * CHUNK)
    return functools.partial(
        pl.kernel,
        mesh=_mesh(),
        out_type=jax.ShapeDtypeStruct((NC, n), jnp.float32),
        scratch_types=[
            pltpu.VMEM((nch, CHUNK), jnp.int32),
            pltpu.VMEM((CHUNK,), jnp.float32),
            pltpu.VMEM_SHARED((n,), jnp.float32),
            pltpu.SemaphoreType.DMA,
        ],
    )(functools.partial(_deg_body, n, nch))


def _make_agg(n, d, e):
    nch = e // (NW * CHUNK)
    opc = CHUNK * d
    return functools.partial(
        pl.kernel,
        mesh=_mesh(),
        out_type=jax.ShapeDtypeStruct((NC, n * d), jnp.float32),
        scratch_types=[
            pltpu.VMEM((1, opc), jnp.int32),
            pltpu.VMEM((1, opc), jnp.int32),
            pltpu.VMEM((opc,), jnp.float32),
            pltpu.VMEM_SHARED((n * d,), jnp.float32),
            pltpu.VMEM_SHARED((n * d,), jnp.float32),
            pltpu.SemaphoreType.DMA,
        ],
    )(functools.partial(_agg_body, nch))



def _mm_body(x_ref, w_ref, o_ref):
    o_ref[...] = jnp.dot(x_ref[...], w_ref[...],
                         preferred_element_type=jnp.float32)


def _scale_body(indeg_ref, g_ref, dis_ref, hp_ref):
    deg = indeg_ref[0] + indeg_ref[1] + 1.0
    dis = lax.rsqrt(deg)
    dis_ref[...] = dis
    hp_ref[...] = dis[:, None] * g_ref[...]


def _mid_body(dis_ref, agg_ref, hp_ref, b1_ref, w2_ref, h2p_ref):
    dis = dis_ref[...]
    a = agg_ref[0] + agg_ref[1] + hp_ref[...]
    h1 = jnp.maximum(dis[:, None] * a + b1_ref[...][None, :], 0.0)
    g2 = jnp.dot(h1, w2_ref[...], preferred_element_type=jnp.float32)
    h2p_ref[...] = dis[:, None] * g2


def _out_body(dis_ref, agg_ref, h2p_ref, b2_ref, o_ref):
    dis = dis_ref[...]
    a = agg_ref[0] + agg_ref[1] + h2p_ref[...]
    o_ref[...] = dis[:, None] * a + b2_ref[...][None, :]


def _offsets(nodes, d, nch):
    flat = (nodes[:, None] * d
            + jnp.arange(d, dtype=jnp.int32)[None, :]).reshape(-1)
    return flat.reshape(NW, nch, 1, CHUNK * d)


def kernel(x, edge_index, W1, b1, W2, b2):
    n, _ = x.shape
    e = edge_index.shape[1]
    hid = W1.shape[1]
    out_dim = W2.shape[1]
    nch = e // (NW * CHUNK)
    assert e == NW * nch * CHUNK

    ei = edge_index.astype(jnp.int32)
    src, dst = ei[0], ei[1]
    dst3 = dst.reshape(NW, nch, CHUNK)
    g1offs = _offsets(src, hid, nch)
    s1offs = _offsets(dst, hid, nch)
    g2offs = _offsets(src, out_dim, nch)
    s2offs = _offsets(dst, out_dim, nch)
    zeros1 = jnp.zeros((n,), jnp.float32)
    zeros_h = jnp.zeros((n * hid,), jnp.float32)
    zeros_o = jnp.zeros((n * out_dim,), jnp.float32)

    g1 = pl.pallas_call(
        _mm_body,
        out_shape=jax.ShapeDtypeStruct((n, hid), jnp.float32),
    )(x, W1)

    indeg = _make_deg(n, e)(dst3, zeros1)

    dis, h1p = pl.pallas_call(
        _scale_body,
        out_shape=(jax.ShapeDtypeStruct((n,), jnp.float32),
                   jax.ShapeDtypeStruct((n, hid), jnp.float32)),
    )(indeg, g1)

    agg1 = _make_agg(n, hid, e)(
        g1offs, s1offs, h1p.reshape(-1), zeros_h).reshape(NC, n, hid)

    h2p = pl.pallas_call(
        _mid_body,
        out_shape=jax.ShapeDtypeStruct((n, out_dim), jnp.float32),
    )(dis, agg1, h1p, b1, W2)

    agg2 = _make_agg(n, out_dim, e)(
        g2offs, s2offs, h2p.reshape(-1), zeros_o).reshape(NC, n, out_dim)

    out = pl.pallas_call(
        _out_body,
        out_shape=jax.ShapeDtypeStruct((n, out_dim), jnp.float32),
    )(dis, agg2, h2p, b2)

    return out

# --- scband reference (transcript-rebuilt; emitter-appended) ---
"""Pipeline reference for scband-gcnencoder-47313359733305 (READ-ONLY COPY).

The authoritative reference and input builder live on the scoring server;
editing this copy changes nothing except your own understanding.
"""

import jax, jax.numpy as jnp
import numpy as np

N = 10000
E = 320000
IN = 128
HID = 20
OUT = 10


def setup_inputs(seed: int = 0) -> dict:
    key = jax.random.key(seed)
    k1, k2, k3, k4, k5, k6 = jax.random.split(key, 6)
    x = jax.random.normal(k1, (N, IN), dtype=jnp.float32)
    edge_index = jax.random.randint(k2, (2, E), 0, N, dtype=jnp.int64)
    W1 = jax.random.normal(k3, (IN, HID), dtype=jnp.float32) * (1.0 / np.sqrt(IN))
    b1 = jnp.zeros((HID,), dtype=jnp.float32)
    W2 = jax.random.normal(k4, (HID, OUT), dtype=jnp.float32) * (1.0 / np.sqrt(HID))
    b2 = jnp.zeros((OUT,), dtype=jnp.float32)
    return {"x": x, "edge_index": edge_index, "W1": W1, "b1": b1, "W2": W2, "b2": b2}


def _gcn_conv(x, src, dst, W, b, num_nodes):
    # GCNConv: x' = D^{-1/2} (A + I) D^{-1/2} X W + b  (add_self_loops=True, normalize=True)
    h = x @ W
    ones = jnp.ones(src.shape[0], dtype=h.dtype)
    deg = jax.ops.segment_sum(ones, dst, num_segments=num_nodes)
    deg_inv_sqrt = jnp.where(deg > 0, 1.0 / jnp.sqrt(deg), 0.0)
    norm = deg_inv_sqrt[src] * deg_inv_sqrt[dst]
    msg = h[src] * norm[:, None]
    out = jax.ops.segment_sum(msg, dst, num_segments=num_nodes)
    return out + b


def reference(x, edge_index, W1, b1, W2, b2):
    num_nodes = x.shape[0]
    loop = jnp.arange(num_nodes, dtype=edge_index.dtype)
    src = jnp.concatenate([edge_index[0], loop])
    dst = jnp.concatenate([edge_index[1], loop])
    h = _gcn_conv(x, src, dst, W1, b1, num_nodes)
    h = jax.nn.relu(h)
    out = _gcn_conv(h, src, dst, W2, b2, num_nodes)
    return out

if __name__ == "__main__":
    import jax
    _d = setup_inputs()
    print(jax.jit(kernel)(*tuple(_d.values())))

</pallas_src>

<mosaic_0001>
#map = affine_map<(d0, d1) -> (0, 0, 0, 0)>
#map1 = affine_map<(d0, d1) -> (0)>
#map2 = affine_map<(d0, d1) -> (0, 0)>
module attributes {stable_mosaic.version = 14 : i64} {
  func.func @_agg_body(%arg0: i32, %arg1: i32, %arg2: memref<32x125x1x800xi32, #tpu.memory_space<hbm>>, %arg3: memref<32x125x1x800xi32, #tpu.memory_space<hbm>>, %arg4: memref<100000xf32, #tpu.memory_space<hbm>>, %arg5: memref<100000xf32, #tpu.memory_space<hbm>>, %arg6: memref<2x100000xf32, #tpu.memory_space<hbm>>, %arg7: memref<1x800xi32, #tpu.memory_space<vmem>>, %arg8: memref<1x800xi32, #tpu.memory_space<vmem>>, %arg9: memref<800xf32, #tpu.memory_space<vmem>>, %arg10: memref<100000xf32, #tpu.memory_space<vmem_shared>>, %arg11: memref<100000xf32, #tpu.memory_space<vmem_shared>>, %arg12: memref<!tpu.dma_semaphore, #tpu.memory_space<semaphore_mem>>) attributes {dimension_semantics = [#tpu.dimension_semantics<core_parallel>, #tpu.dimension_semantics<subcore_parallel>], iteration_bounds = array<i64: 2, 16>, scalar_prefetch = 0 : i64, scratch_operands = 6 : i64, tpu.core_type = #tpu.core_type<sc_vector_subcore>, window_params = [{transform_indices = #map}, {transform_indices = #map}, {transform_indices = #map1}, {transform_indices = #map1}, {transform_indices = #map2}]} {
    %mul3A = arith.constant 2 : i32
    %mul3A_0 = arith.muli %arg1, %mul3A : i32
    %add3A = arith.addi %mul3A_0, %arg0 : i32
    %eq3A = arith.constant 0 : i32
    %eq3A_1 = arith.cmpi eq, %arg1, %eq3A : i32
    %convert_element_type3A = arith.extui %eq3A_1 : i1 to i32
    %cond3A = arith.constant 0 : i32
    %cond3A_2 = arith.cmpi ne, %convert_element_type3A, %cond3A : i32
    scf.if %cond3A_2 {
      "tpu.region"() ({
        %run_scoped3A = tpu.sem_alloc : memref<!tpu.dma_semaphore, #tpu.memory_space<semaphore_mem>>
        tpu.enqueue_dma source(%arg5 : memref<100000xf32, #tpu.memory_space<hbm>>) target(%arg11 : memref<100000xf32, #tpu.memory_space<vmem_shared>>) target_semaphore(%run_scoped3A : memref<!tpu.dma_semaphore, #tpu.memory_space<semaphore_mem>>)
        tpu.wait_dma2 semaphore(%run_scoped3A : memref<!tpu.dma_semaphore, #tpu.memory_space<semaphore_mem>>) src(%arg5 : memref<100000xf32, #tpu.memory_space<hbm>>) dst(%arg11 : memref<100000xf32, #tpu.memory_space<vmem_shared>>)
        tpu.yield
      }) : () -> ()
      "tpu.region"() ({
        %run_scoped3A = tpu.sem_alloc : memref<!tpu.dma_semaphore, #tpu.memory_space<semaphore_mem>>
        tpu.enqueue_dma source(%arg4 : memref<100000xf32, #tpu.memory_space<hbm>>) target(%arg10 : memref<100000xf32, #tpu.memory_space<vmem_shared>>) target_semaphore(%run_scoped3A : memref<!tpu.dma_semaphore, #tpu.memory_space<semaphore_mem>>)
        tpu.wait_dma2 semaphore(%run_scoped3A : memref<!tpu.dma_semaphore, #tpu.memory_space<semaphore_mem>>) src(%arg4 : memref<100000xf32, #tpu.memory_space<hbm>>) dst(%arg10 : memref<100000xf32, #tpu.memory_space<vmem_shared>>)
        tpu.yield
      }) : () -> ()
    } else {
    }
    %barrier3A = arith.constant 0 : index
    tpu.barrier barrier_id(%barrier3A)
    %scan3A = arith.constant 0 : i32
    %scan3A_3 = arith.constant 0 : i32
    %scan3A_4 = arith.constant 125 : i32
    %scan3A_5 = arith.addi %scan3A_3, %scan3A_4 : i32
    %scan3A_6 = arith.constant 1 : i32
    scf.for %scan3A_14 = %scan3A_3 to %scan3A_5 step %scan3A_6  : i32 {
      "tpu.region"() ({
        %run_scoped3A_25 = tpu.sem_alloc : memref<!tpu.dma_semaphore, #tpu.memory_space<semaphore_mem>>
        %dma_start3A_26 = arith.constant 0 : i32
        %dma_start3A_27 = arith.constant 0 : i32
        %dma_start3A_28 = tpu.memref_slice %arg2[%add3A, %scan3A_14, %dma_start3A_26, %dma_start3A_27] : memref<32x125x1x800xi32, #tpu.memory_space<hbm>> -> memref<1x1x1x800xi32, #tpu.memory_space<hbm>>
        %dma_start3A_29 = tpu.memref_squeeze %dma_start3A_28 : memref<1x1x1x800xi32, #tpu.memory_space<hbm>> -> memref<1x800xi32, #tpu.memory_space<hbm>>
        %dma_start3A_30 = arith.constant 0 : i32
        %dma_start3A_31 = arith.constant 0 : i32
        %dma_start3A_32 = tpu.memref_slice %arg2[%add3A, %scan3A_14, %dma_start3A_30, %dma_start3A_31] : memref<32x125x1x800xi32, #tpu.memory_space<hbm>> -> memref<1x1x1x800xi32, #tpu.memory_space<hbm>>
        %dma_start3A_33 = tpu.memref_squeeze %dma_start3A_32 : memref<1x1x1x800xi32, #tpu.memory_space<hbm>> -> memref<1x800xi32, #tpu.memory_space<hbm>>
        tpu.enqueue_dma source(%dma_start3A_33 : memref<1x800xi32, #tpu.memory_space<hbm>>) target(%arg7 : memref<1x800xi32, #tpu.memory_space<vmem>>) target_semaphore(%run_scoped3A_25 : memref<!tpu.dma_semaphore, #tpu.memory_space<semaphore_mem>>)
        %dma_wait3A_34 = arith.constant 0 : i32
        %dma_wait3A_35 = arith.constant 0 : i32
        %dma_wait3A_36 = tpu.memref_slice %arg2[%add3A, %scan3A_14, %dma_wait3A_34, %dma_wait3A_35] : memref<32x125x1x800xi32, #tpu.memory_space<hbm>> -> memref<1x1x1x800xi32, #tpu.memory_space<hbm>>
        %dma_wait3A_37 = tpu.memref_squeeze %dma_wait3A_36 : memref<1x1x1x800xi32, #tpu.memory_space<hbm>> -> memref<1x800xi32, #tpu.memory_space<hbm>>
        %dma_wait3A_38 = arith.constant 0 : i32
        %dma_wait3A_39 = arith.constant 0 : i32
        %dma_wait3A_40 = tpu.memref_slice %arg2[%add3A, %scan3A_14, %dma_wait3A_38, %dma_wait3A_39] : memref<32x125x1x800xi32, #tpu.memory_space<hbm>> -> memref<1x1x1x800xi32, #tpu.memory_space<hbm>>
        %dma_wait3A_41 = tpu.memref_squeeze %dma_wait3A_40 : memref<1x1x1x800xi32, #tpu.memory_space<hbm>> -> memref<1x800xi32, #tpu.memory_space<hbm>>
        tpu.wait_dma2 semaphore(%run_scoped3A_25 : memref<!tpu.dma_semaphore, #tpu.memory_space<semaphore_mem>>) src(%dma_wait3A_41 : memref<1x800xi32, #tpu.memory_space<hbm>>) dst(%arg7 : memref<1x800xi32, #tpu.memory_space<vmem>>)
        tpu.yield
      }) : () -> ()
      "tpu.region"() ({
        %run_scoped3A_25 = tpu.sem_alloc : memref<!tpu.dma_semaphore, #tpu.memory_space<semaphore_mem>>
        %dma_start3A_26 = arith.constant 0 : i32
        %dma_start3A_27 = arith.constant 0 : i32
        %dma_start3A_28 = tpu.memref_slice %arg3[%add3A, %scan3A_14, %dma_start3A_26, %dma_start3A_27] : memref<32x125x1x800xi32, #tpu.memory_space<hbm>> -> memref<1x1x1x800xi32, #tpu.memory_space<hbm>>
        %dma_start3A_29 = tpu.memref_squeeze %dma_start3A_28 : memref<1x1x1x800xi32, #tpu.memory_space<hbm>> -> memref<1x800xi32, #tpu.memory_space<hbm>>
        %dma_start3A_30 = arith.constant 0 : i32
        %dma_start3A_31 = arith.constant 0 : i32
        %dma_start3A_32 = tpu.memref_slice %arg3[%add3A, %scan3A_14, %dma_start3A_30, %dma_start3A_31] : memref<32x125x1x800xi32, #tpu.memory_space<hbm>> -> memref<1x1x1x800xi32, #tpu.memory_space<hbm>>
        %dma_start3A_33 = tpu.memref_squeeze %dma_start3A_32 : memref<1x1x1x800xi32, #tpu.memory_space<hbm>> -> memref<1x800xi32, #tpu.memory_space<hbm>>
        tpu.enqueue_dma source(%dma_start3A_33 : memref<1x800xi32, #tpu.memory_space<hbm>>) target(%arg8 : memref<1x800xi32, #tpu.memory_space<vmem>>) target_semaphore(%run_scoped3A_25 : memref<!tpu.dma_semaphore, #tpu.memory_space<semaphore_mem>>)
        %dma_wait3A_34 = arith.constant 0 : i32
        %dma_wait3A_35 = arith.constant 0 : i32
        %dma_wait3A_36 = tpu.memref_slice %arg3[%add3A, %scan3A_14, %dma_wait3A_34, %dma_wait3A_35] : memref<32x125x1x800xi32, #tpu.memory_space<hbm>> -> memref<1x1x1x800xi32, #tpu.memory_space<hbm>>
        %dma_wait3A_37 = tpu.memref_squeeze %dma_wait3A_36 : memref<1x1x1x800xi32, #tpu.memory_space<hbm>> -> memref<1x800xi32, #tpu.memory_space<hbm>>
        %dma_wait3A_38 = arith.constant 0 : i32
        %dma_wait3A_39 = arith.constant 0 : i32
        %dma_wait3A_40 = tpu.memref_slice %arg3[%add3A, %scan3A_14, %dma_wait3A_38, %dma_wait3A_39] : memref<32x125x1x800xi32, #tpu.memory_space<hbm>> -> memref<1x1x1x800xi32, #tpu.memory_space<hbm>>
        %dma_wait3A_41 = tpu.memref_squeeze %dma_wait3A_40 : memref<1x1x1x800xi32, #tpu.memory_space<hbm>> -> memref<1x800xi32, #tpu.memory_space<hbm>>
        tpu.wait_dma2 semaphore(%run_scoped3A_25 : memref<!tpu.dma_semaphore, #tpu.memory_space<semaphore_mem>>) src(%dma_wait3A_41 : memref<1x800xi32, #tpu.memory_space<hbm>>) dst(%arg8 : memref<1x800xi32, #tpu.memory_space<vmem>>)
        tpu.yield
      }) : () -> ()
      %dma_start3A = arith.constant 0 : i32
      %dma_start3A_15 = arith.constant 0 : i32
      %dma_start3A_16 = tpu.memref_slice %arg7[%dma_start3A, %dma_start3A_15] : memref<1x800xi32, #tpu.memory_space<vmem>> -> memref<1x800xi32, #tpu.memory_space<vmem>>
      %dma_start3A_17 = tpu.memref_squeeze %dma_start3A_16 : memref<1x800xi32, #tpu.memory_space<vmem>> -> memref<800xi32, #tpu.memory_space<vmem>>
      %dma_start3A_18 = arith.constant 0 : i32
      %dma_start3A_19 = tpu.memref_slice %arg10[%dma_start3A_18] : memref<100000xf32, #tpu.memory_space<vmem_shared>> -> memref<100000xf32, #tpu.memory_space<vmem_shared>>
      tpu.enqueue_indirect_dma source(%dma_start3A_19 : memref<100000xf32, #tpu.memory_space<vmem_shared>>) target(%arg9 : memref<800xf32, #tpu.memory_space<vmem>>) offsets(%dma_start3A_17 : memref<800xi32, #tpu.memory_space<vmem>>) semaphore(%arg12 : memref<!tpu.dma_semaphore, #tpu.memory_space<semaphore_mem>>)
      %dma_wait3A = arith.constant 0 : i32
      %dma_wait3A_20 = arith.constant 0 : i32
      %dma_wait3A_21 = tpu.memref_slice %arg7[%dma_wait3A, %dma_wait3A_20] : memref<1x800xi32, #tpu.memory_space<vmem>> -> memref<1x800xi32, #tpu.memory_space<vmem>>
      %dma_wait3A_22 = tpu.memref_squeeze %dma_wait3A_21 : memref<1x800xi32, #tpu.memory_space<vmem>> -> memref<800xi32, #tpu.memory_space<vmem>>
      %dma_wait3A_23 = arith.constant 0 : i32
      %dma_wait3A_24 = tpu.memref_slice %arg10[%dma_wait3A_23] : memref<100000xf32, #tpu.memory_space<vmem_shared>> -> memref<100000xf32, #tpu.memory_space<vmem_shared>>
      tpu.wait_indirect_dma semaphore(%arg12 : memref<!tpu.dma_semaphore, #tpu.memory_space<semaphore_mem>>) src(%dma_wait3A_24 : memref<100000xf32, #tpu.memory_space<vmem_shared>>) dst(%arg9 : memref<800xf32, #tpu.memory_space<vmem>>)
      %run_scoped3A = arith.constant 0 : i32
      "tpu.region"() ({
        %run_scoped3A_25 = tpu.sem_alloc : memref<!tpu.dma_semaphore, #tpu.memory_space<semaphore_mem>>
        %dma_start3A_26 = arith.constant 0 : i32
        %dma_start3A_27 = tpu.memref_slice %arg8[%run_scoped3A, %dma_start3A_26] : memref<1x800xi32, #tpu.memory_space<vmem>> -> memref<1x800xi32, #tpu.memory_space<vmem>>
        %dma_start3A_28 = tpu.memref_squeeze %dma_start3A_27 : memref<1x800xi32, #tpu.memory_space<vmem>> -> memref<800xi32, #tpu.memory_space<vmem>>
        %dma_start3A_29 = arith.constant 0 : i32
        %dma_start3A_30 = tpu.memref_slice %arg11[%dma_start3A_29] : memref<100000xf32, #tpu.memory_space<vmem_shared>> -> memref<100000xf32, #tpu.memory_space<vmem_shared>>
        tpu.enqueue_indirect_dma source(%arg9 : memref<800xf32, #tpu.memory_space<vmem>>) target(%dma_start3A_30 : memref<100000xf32, #tpu.memory_space<vmem_shared>>) offsets(%dma_start3A_28 : memref<800xi32, #tpu.memory_space<vmem>>) semaphore(%run_scoped3A_25 : memref<!tpu.dma_semaphore, #tpu.memory_space<semaphore_mem>>) {add = true}
        %dma_wait3A_31 = arith.constant 0 : i32
        %dma_wait3A_32 = tpu.memref_slice %arg8[%run_scoped3A, %dma_wait3A_31] : memref<1x800xi32, #tpu.memory_space<vmem>> -> memref<1x800xi32, #tpu.memory_space<vmem>>
        %dma_wait3A_33 = tpu.memref_squeeze %dma_wait3A_32 : memref<1x800xi32, #tpu.memory_space<vmem>> -> memref<800xi32, #tpu.memory_space<vmem>>
        %dma_wait3A_34 = arith.constant 0 : i32
        %dma_wait3A_35 = tpu.memref_slice %arg11[%dma_wait3A_34] : memref<100000xf32, #tpu.memory_space<vmem_shared>> -> memref<100000xf32, #tpu.memory_space<vmem_shared>>
        tpu.wait_indirect_dma semaphore(%run_scoped3A_25 : memref<!tpu.dma_semaphore, #tpu.memory_space<semaphore_mem>>) src(%arg9 : memref<800xf32, #tpu.memory_space<vmem>>) dst(%dma_wait3A_35 : memref<100000xf32, #tpu.memory_space<vmem_shared>>)
        tpu.yield
      }) : () -> ()
    }
    %scan3A_7 = arith.constant 125 : i32
    %barrier3A_8 = arith.constant 0 : index
    tpu.barrier barrier_id(%barrier3A_8)
    %eq3A_9 = arith.constant 0 : i32
    %eq3A_10 = arith.cmpi eq, %arg1, %eq3A_9 : i32
    %convert_element_type3A_11 = arith.extui %eq3A_10 : i1 to i32
    %cond3A_12 = arith.constant 0 : i32
    %cond3A_13 = arith.cmpi ne, %convert_element_type3A_11, %cond3A_12 : i32
    scf.if %cond3A_13 {
      "tpu.region"() ({
        %run_scoped3A = tpu.sem_alloc : memref<!tpu.dma_semaphore, #tpu.memory_space<semaphore_mem>>
        %dma_start3A = arith.constant 0 : i32
        %dma_start3A_14 = tpu.memref_slice %arg6[%arg0, %dma_start3A] : memref<2x100000xf32, #tpu.memory_space<hbm>> -> memref<1x100000xf32, #tpu.memory_space<hbm>>
        %dma_start3A_15 = tpu.memref_squeeze %dma_start3A_14 : memref<1x100000xf32, #tpu.memory_space<hbm>> -> memref<100000xf32, #tpu.memory_space<hbm>>
        tpu.enqueue_dma source(%arg11 : memref<100000xf32, #tpu.memory_space<vmem_shared>>) target(%dma_start3A_15 : memref<100000xf32, #tpu.memory_space<hbm>>) target_semaphore(%run_scoped3A : memref<!tpu.dma_semaphore, #tpu.memory_space<semaphore_mem>>)
        %dma_wait3A = arith.constant 0 : i32
        %dma_wait3A_16 = tpu.memref_slice %arg6[%arg0, %dma_wait3A] : memref<2x100000xf32, #tpu.memory_space<hbm>> -> memref<1x100000xf32, #tpu.memory_space<hbm>>
        %dma_wait3A_17 = tpu.memref_squeeze %dma_wait3A_16 : memref<1x100000xf32, #tpu.memory_space<hbm>> -> memref<100000xf32, #tpu.memory_space<hbm>>
        tpu.wait_dma2 semaphore(%run_scoped3A : memref<!tpu.dma_semaphore, #tpu.memory_space<semaphore_mem>>) src(%arg11 : memref<100000xf32, #tpu.memory_space<vmem_shared>>) dst(%dma_wait3A_17 : memref<100000xf32, #tpu.memory_space<hbm>>)
        tpu.yield
      }) : () -> ()
    } else {
    }
    return
  }
}

#map = affine_map<(d0, d1) -> (0, 0, 0)>
#map1 = affine_map<(d0, d1) -> (0)>
#map2 = affine_map<(d0, d1) -> (0, 0)>
module attributes {stable_mosaic.version = 14 : i64} {
  func.func @_deg_body(%arg0: i32, %arg1: i32, %arg2: memref<32x125x80xi32, #tpu.memory_space<hbm>>, %arg3: memref<10000xf32, #tpu.memory_space<hbm>>, %arg4: memref<2x10000xf32, #tpu.memory_space<hbm>>, %arg5: memref<125x80xi32, #tpu.memory_space<vmem>>, %arg6: memref<80xf32, #tpu.memory_space<vmem>>, %arg7: memref<10000xf32, #tpu.memory_space<vmem_shared>>, %arg8: memref<!tpu.dma_semaphore, #tpu.memory_space<semaphore_mem>>) attributes {dimension_semantics = [#tpu.dimension_semantics<core_parallel>, #tpu.dimension_semantics<subcore_parallel>], iteration_bounds = array<i64: 2, 16>, scalar_prefetch = 0 : i64, scratch_operands = 4 : i64, tpu.core_type = #tpu.core_type<sc_vector_subcore>, window_params = [{transform_indices = #map}, {transform_indices = #map1}, {transform_indices = #map2}]} {
    %mul3A = arith.constant 2 : i32
    %mul3A_0 = arith.muli %arg1, %mul3A : i32
    %add3A = arith.addi %mul3A_0, %arg0 : i32
    "tpu.region"() ({
      %run_scoped3A = tpu.sem_alloc : memref<!tpu.dma_semaphore, #tpu.memory_space<semaphore_mem>>
      %dma_start3A = arith.constant 0 : i32
      %dma_start3A_42 = arith.constant 0 : i32
      %dma_start3A_43 = tpu.memref_slice %arg2[%add3A, %dma_start3A, %dma_start3A_42] : memref<32x125x80xi32, #tpu.memory_space<hbm>> -> memref<1x125x80xi32, #tpu.memory_space<hbm>>
      %dma_start3A_44 = tpu.memref_squeeze %dma_start3A_43 : memref<1x125x80xi32, #tpu.memory_space<hbm>> -> memref<125x80xi32, #tpu.memory_space<hbm>>
      %dma_start3A_45 = arith.constant 0 : i32
      %dma_start3A_46 = arith.constant 0 : i32
      %dma_start3A_47 = tpu.memref_slice %arg2[%add3A, %dma_start3A_45, %dma_start3A_46] : memref<32x125x80xi32, #tpu.memory_space<hbm>> -> memref<1x125x80xi32, #tpu.memory_space<hbm>>
      %dma_start3A_48 = tpu.memref_squeeze %dma_start3A_47 : memref<1x125x80xi32, #tpu.memory_space<hbm>> -> memref<125x80xi32, #tpu.memory_space<hbm>>
      tpu.enqueue_dma source(%dma_start3A_48 : memref<125x80xi32, #tpu.memory_space<hbm>>) target(%arg5 : memref<125x80xi32, #tpu.memory_space<vmem>>) target_semaphore(%run_scoped3A : memref<!tpu.dma_semaphore, #tpu.memory_space<semaphore_mem>>)
      %dma_wait3A = arith.constant 0 : i32
      %dma_wait3A_49 = arith.constant 0 : i32
      %dma_wait3A_50 = tpu.memref_slice %arg2[%add3A, %dma_wait3A, %dma_wait3A_49] : memref<32x125x80xi32, #tpu.memory_space<hbm>> -> memref<1x125x80xi32, #tpu.memory_space<hbm>>
      %dma_wait3A_51 = tpu.memref_squeeze %dma_wait3A_50 : memref<1x125x80xi32, #tpu.memory_space<hbm>> -> memref<125x80xi32, #tpu.memory_space<hbm>>
      %dma_wait3A_52 = arith.constant 0 : i32
      %dma_wait3A_53 = arith.constant 0 : i32
      %dma_wait3A_54 = tpu.memref_slice %arg2[%add3A, %dma_wait3A_52, %dma_wait3A_53] : memref<32x125x80xi32, #tpu.memory_space<hbm>> -> memref<1x125x80xi32, #tpu.memory_space<hbm>>
      %dma_wait3A_55 = tpu.memref_squeeze %dma_wait3A_54 : memref<1x125x80xi32, #tpu.memory_space<hbm>> -> memref<125x80xi32, #tpu.memory_space<hbm>>
      tpu.wait_dma2 semaphore(%run_scoped3A : memref<!tpu.dma_semaphore, #tpu.memory_space<semaphore_mem>>) src(%dma_wait3A_55 : memref<125x80xi32, #tpu.memory_space<hbm>>) dst(%arg5 : memref<125x80xi32, #tpu.memory_space<vmem>>)
      tpu.yield
    }) : () -> ()
    %broadcast_in_dim3A = arith.constant 1.000000e+00 : f32
    %broadcast_in_dim3A_1 = vector.broadcast %broadcast_in_dim3A : f32 to vector<16xf32>
    %swap3A = arith.constant 0 : index
    %swap3A_2 = tpu.vector_load %arg6[%swap3A] {strides = array<i32>} : memref<80xf32, #tpu.memory_space<vmem>>, vector<16xf32>,
    %swap3A_3 = vector.shape_cast %swap3A_2 : vector<16xf32> to vector<16xf32>
    %swap3A_4 = vector.shape_cast %broadcast_in_dim3A_1 : vector<16xf32> to vector<16xf32>
    tpu.vector_store %arg6[%swap3A], %swap3A_4 {strides = array<i32>} : memref<80xf32, #tpu.memory_space<vmem>>, vector<16xf32>,
    %broadcast_in_dim3A_5 = arith.constant 1.000000e+00 : f32
    %broadcast_in_dim3A_6 = vector.broadcast %broadcast_in_dim3A_5 : f32 to vector<16xf32>
    %swap3A_7 = arith.constant 16 : index
    %swap3A_8 = tpu.vector_load %arg6[%swap3A_7] {strides = array<i32>} : memref<80xf32, #tpu.memory_space<vmem>>, vector<16xf32>,
    %swap3A_9 = vector.shape_cast %swap3A_8 : vector<16xf32> to vector<16xf32>
    %swap3A_10 = vector.shape_cast %broadcast_in_dim3A_6 : vector<16xf32> to vector<16xf32>
    tpu.vector_store %arg6[%swap3A_7], %swap3A_10 {strides = array<i32>} : memref<80xf32, #tpu.memory_space<vmem>>, vector<16xf32>,
    %broadcast_in_dim3A_11 = arith.constant 1.000000e+00 : f32
    %broadcast_in_dim3A_12 = vector.broadcast %broadcast_in_dim3A_11 : f32 to vector<16xf32>
    %swap3A_13 = arith.constant 32 : index
    %swap3A_14 = tpu.vector_load %arg6[%swap3A_13] {strides = array<i32>} : memref<80xf32, #tpu.memory_space<vmem>>, vector<16xf32>,
    %swap3A_15 = vector.shape_cast %swap3A_14 : vector<16xf32> to vector<16xf32>
    %swap3A_16 = vector.shape_cast %broadcast_in_dim3A_12 : vector<16xf32> to vector<16xf32>
    tpu.vector_store %arg6[%swap3A_13], %swap3A_16 {strides = array<i32>} : memref<80xf32, #tpu.memory_space<vmem>>, vector<16xf32>,
    %broadcast_in_dim3A_17 = arith.constant 1.000000e+00 : f32
    %broadcast_in_dim3A_18 = vector.broadcast %broadcast_in_dim3A_17 : f32 to vector<16xf32>
    %swap3A_19 = arith.constant 48 : index
    %swap3A_20 = tpu.vector_load %arg6[%swap3A_19] {strides = array<i32>} : memref<80xf32, #tpu.memory_space<vmem>>, vector<16xf32>,
    %swap3A_21 = vector.shape_cast %swap3A_20 : vector<16xf32> to vector<16xf32>
    %swap3A_22 = vector.shape_cast %broadcast_in_dim3A_18 : vector<16xf32> to vector<16xf32>
    tpu.vector_store %arg6[%swap3A_19], %swap3A_22 {strides = array<i32>} : memref<80xf32, #tpu.memory_space<vmem>>, vector<16xf32>,
    %broadcast_in_dim3A_23 = arith.constant 1.000000e+00 : f32
    %broadcast_in_dim3A_24 = vector.broadcast %broadcast_in_dim3A_23 : f32 to vector<16xf32>
    %swap3A_25 = arith.constant 64 : index
    %swap3A_26 = tpu.vector_load %arg6[%swap3A_25] {strides = array<i32>} : memref<80xf32, #tpu.memory_space<vmem>>, vector<16xf32>,
    %swap3A_27 = vector.shape_cast %swap3A_26 : vector<16xf32> to vector<16xf32>
    %swap3A_28 = vector.shape_cast %broadcast_in_dim3A_24 : vector<16xf32> to vector<16xf32>
    tpu.vector_store %arg6[%swap3A_25], %swap3A_28 {strides = array<i32>} : memref<80xf32, #tpu.memory_space<vmem>>, vector<16xf32>,
    %eq3A = arith.constant 0 : i32
    %eq3A_29 = arith.cmpi eq, %arg1, %eq3A : i32
    %convert_element_type3A = arith.extui %eq3A_29 : i1 to i32
    %cond3A = arith.constant 0 : i32
    %cond3A_30 = arith.cmpi ne, %convert_element_type3A, %cond3A : i32
    scf.if %cond3A_30 {
      "tpu.region"() ({
        %run_scoped3A = tpu.sem_alloc : memref<!tpu.dma_semaphore, #tpu.memory_space<semaphore_mem>>
        tpu.enqueue_dma source(%arg3 : memref<10000xf32, #tpu.memory_space<hbm>>) target(%arg7 : memref<10000xf32, #tpu.memory_space<vmem_shared>>) target_semaphore(%run_scoped3A : memref<!tpu.dma_semaphore, #tpu.memory_space<semaphore_mem>>)
        tpu.wait_dma2 semaphore(%run_scoped3A : memref<!tpu.dma_semaphore, #tpu.memory_space<semaphore_mem>>) src(%arg3 : memref<10000xf32, #tpu.memory_space<hbm>>) dst(%arg7 : memref<10000xf32, #tpu.memory_space<vmem_shared>>)
        tpu.yield
      }) : () -> ()
    } else {
    }
    %barrier3A = arith.constant 0 : index
    tpu.barrier barrier_id(%barrier3A)
    %scan3A = arith.constant 0 : i32
    %scan3A_31 = arith.constant 0 : i32
    %scan3A_32 = arith.constant 125 : i32
    %scan3A_33 = arith.addi %scan3A_31, %scan3A_32 : i32
    %scan3A_34 = arith.constant 1 : i32
    scf.for %scan3A_42 = %scan3A_31 to %scan3A_33 step %scan3A_34  : i32 {
      "tpu.region"() ({
        %run_scoped3A = tpu.sem_alloc : memref<!tpu.dma_semaphore, #tpu.memory_space<semaphore_mem>>
        %dma_start3A = arith.constant 0 : i32
        %dma_start3A_43 = tpu.memref_slice %arg5[%scan3A_42, %dma_start3A] : memref<125x80xi32, #tpu.memory_space<vmem>> -> memref<1x80xi32, #tpu.memory_space<vmem>>
        %dma_start3A_44 = tpu.memref_squeeze %dma_start3A_43 : memref<1x80xi32, #tpu.memory_space<vmem>> -> memref<80xi32, #tpu.memory_space<vmem>>
        %dma_start3A_45 = arith.constant 0 : i32
        %dma_start3A_46 = tpu.memref_slice %arg7[%dma_start3A_45] : memref<10000xf32, #tpu.memory_space<vmem_shared>> -> memref<10000xf32, #tpu.memory_space<vmem_shared>>
        tpu.enqueue_indirect_dma source(%arg6 : memref<80xf32, #tpu.memory_space<vmem>>) target(%dma_start3A_46 : memref<10000xf32, #tpu.memory_space<vmem_shared>>) offsets(%dma_start3A_44 : memref<80xi32, #tpu.memory_space<vmem>>) semaphore(%run_scoped3A : memref<!tpu.dma_semaphore, #tpu.memory_space<semaphore_mem>>) {add = true}
        %dma_wait3A = arith.constant 0 : i32
        %dma_wait3A_47 = tpu.memref_slice %arg5[%scan3A_42, %dma_wait3A] : memref<125x80xi32, #tpu.memory_space<vmem>> -> memref<1x80xi32, #tpu.memory_space<vmem>>
        %dma_wait3A_48 = tpu.memref_squeeze %dma_wait3A_47 : memref<1x80xi32, #tpu.memory_space<vmem>> -> memref<80xi32, #tpu.memory_space<vmem>>
        %dma_wait3A_49 = arith.constant 0 : i32
        %dma_wait3A_50 = tpu.memref_slice %arg7[%dma_wait3A_49] : memref<10000xf32, #tpu.memory_space<vmem_shared>> -> memref<10000xf32, #tpu.memory_space<vmem_shared>>
        tpu.wait_indirect_dma semaphore(%run_scoped3A : memref<!tpu.dma_semaphore, #tpu.memory_space<semaphore_mem>>) src(%arg6 : memref<80xf32, #tpu.memory_space<vmem>>) dst(%dma_wait3A_50 : memref<10000xf32, #tpu.memory_space<vmem_shared>>)
        tpu.yield
      }) : () -> ()
    }
    %scan3A_35 = arith.constant 125 : i32
    %barrier3A_36 = arith.constant 0 : index
    tpu.barrier barrier_id(%barrier3A_36)
    %eq3A_37 = arith.constant 0 : i32
    %eq3A_38 = arith.cmpi eq, %arg1, %eq3A_37 : i32
    %convert_element_type3A_39 = arith.extui %eq3A_38 : i1 to i32
    %cond3A_40 = arith.constant 0 : i32
    %cond3A_41 = arith.cmpi ne, %convert_element_type3A_39, %cond3A_40 : i32
    scf.if %cond3A_41 {
      "tpu.region"() ({
        %run_scoped3A = tpu.sem_alloc : memref<!tpu.dma_semaphore, #tpu.memory_space<semaphore_mem>>
        %dma_start3A = arith.constant 0 : i32
        %dma_start3A_42 = tpu.memref_slice %arg4[%arg0, %dma_start3A] : memref<2x10000xf32, #tpu.memory_space<hbm>> -> memref<1x10000xf32, #tpu.memory_space<hbm>>
        %dma_start3A_43 = tpu.memref_squeeze %dma_start3A_42 : memref<1x10000xf32, #tpu.memory_space<hbm>> -> memref<10000xf32, #tpu.memory_space<hbm>>
        tpu.enqueue_dma source(%arg7 : memref<10000xf32, #tpu.memory_space<vmem_shared>>) target(%dma_start3A_43 : memref<10000xf32, #tpu.memory_space<hbm>>) target_semaphore(%run_scoped3A : memref<!tpu.dma_semaphore, #tpu.memory_space<semaphore_mem>>)
        %dma_wait3A = arith.constant 0 : i32
        %dma_wait3A_44 = tpu.memref_slice %arg4[%arg0, %dma_wait3A] : memref<2x10000xf32, #tpu.memory_space<hbm>> -> memref<1x10000xf32, #tpu.memory_space<hbm>>
        %dma_wait3A_45 = tpu.memref_squeeze %dma_wait3A_44 : memref<1x10000xf32, #tpu.memory_space<hbm>> -> memref<10000xf32, #tpu.memory_space<hbm>>
        tpu.wait_dma2 semaphore(%run_scoped3A : memref<!tpu.dma_semaphore, #tpu.memory_space<semaphore_mem>>) src(%arg7 : memref<10000xf32, #tpu.memory_space<vmem_shared>>) dst(%dma_wait3A_45 : memref<10000xf32, #tpu.memory_space<hbm>>)
        tpu.yield
      }) : () -> ()
    } else {
    }
    return
  }
}

#map = affine_map<(d0, d1) -> (0, 0, 0, 0)>
#map1 = affine_map<(d0, d1) -> (0)>
#map2 = affine_map<(d0, d1) -> (0, 0)>
module attributes {stable_mosaic.version = 14 : i64} {
  func.func @_agg_body(%arg0: i32, %arg1: i32, %arg2: memref<32x125x1x1600xi32, #tpu.memory_space<hbm>>, %arg3: memref<32x125x1x1600xi32, #tpu.memory_space<hbm>>, %arg4: memref<200000xf32, #tpu.memory_space<hbm>>, %arg5: memref<200000xf32, #tpu.memory_space<hbm>>, %arg6: memref<2x200000xf32, #tpu.memory_space<hbm>>, %arg7: memref<1x1600xi32, #tpu.memory_space<vmem>>, %arg8: memref<1x1600xi32, #tpu.memory_space<vmem>>, %arg9: memref<1600xf32, #tpu.memory_space<vmem>>, %arg10: memref<200000xf32, #tpu.memory_space<vmem_shared>>, %arg11: memref<200000xf32, #tpu.memory_space<vmem_shared>>, %arg12: memref<!tpu.dma_semaphore, #tpu.memory_space<semaphore_mem>>) attributes {dimension_semantics = [#tpu.dimension_semantics<core_parallel>, #tpu.dimension_semantics<subcore_parallel>], iteration_bounds = array<i64: 2, 16>, scalar_prefetch = 0 : i64, scratch_operands = 6 : i64, tpu.core_type = #tpu.core_type<sc_vector_subcore>, window_params = [{transform_indices = #map}, {transform_indices = #map}, {transform_indices = #map1}, {transform_indices = #map1}, {transform_indices = #map2}]} {
    %mul3A = arith.constant 2 : i32
    %mul3A_0 = arith.muli %arg1, %mul3A : i32
    %add3A = arith.addi %mul3A_0, %arg0 : i32
    %eq3A = arith.constant 0 : i32
    %eq3A_1 = arith.cmpi eq, %arg1, %eq3A : i32
    %convert_element_type3A = arith.extui %eq3A_1 : i1 to i32
    %cond3A = arith.constant 0 : i32
    %cond3A_2 = arith.cmpi ne, %convert_element_type3A, %cond3A : i32
    scf.if %cond3A_2 {
      "tpu.region"() ({
        %run_scoped3A = tpu.sem_alloc : memref<!tpu.dma_semaphore, #tpu.memory_space<semaphore_mem>>
        tpu.enqueue_dma source(%arg5 : memref<200000xf32, #tpu.memory_space<hbm>>) target(%arg11 : memref<200000xf32, #tpu.memory_space<vmem_shared>>) target_semaphore(%run_scoped3A : memref<!tpu.dma_semaphore, #tpu.memory_space<semaphore_mem>>)
        tpu.wait_dma2 semaphore(%run_scoped3A : memref<!tpu.dma_semaphore, #tpu.memory_space<semaphore_mem>>) src(%arg5 : memref<200000xf32, #tpu.memory_space<hbm>>) dst(%arg11 : memref<200000xf32, #tpu.memory_space<vmem_shared>>)
        tpu.yield
      }) : () -> ()
      "tpu.region"() ({
        %run_scoped3A = tpu.sem_alloc : memref<!tpu.dma_semaphore, #tpu.memory_space<semaphore_mem>>
        tpu.enqueue_dma source(%arg4 : memref<200000xf32, #tpu.memory_space<hbm>>) target(%arg10 : memref<200000xf32, #tpu.memory_space<vmem_shared>>) target_semaphore(%run_scoped3A : memref<!tpu.dma_semaphore, #tpu.memory_space<semaphore_mem>>)
        tpu.wait_dma2 semaphore(%run_scoped3A : memref<!tpu.dma_semaphore, #tpu.memory_space<semaphore_mem>>) src(%arg4 : memref<200000xf32, #tpu.memory_space<hbm>>) dst(%arg10 : memref<200000xf32, #tpu.memory_space<vmem_shared>>)
        tpu.yield
      }) : () -> ()
    } else {
    }
    %barrier3A = arith.constant 0 : index
    tpu.barrier barrier_id(%barrier3A)
    %scan3A = arith.constant 0 : i32
    %scan3A_3 = arith.constant 0 : i32
    %scan3A_4 = arith.constant 125 : i32
    %scan3A_5 = arith.addi %scan3A_3, %scan3A_4 : i32
    %scan3A_6 = arith.constant 1 : i32
    scf.for %scan3A_14 = %scan3A_3 to %scan3A_5 step %scan3A_6  : i32 {
      "tpu.region"() ({
        %run_scoped3A_25 = tpu.sem_alloc : memref<!tpu.dma_semaphore, #tpu.memory_space<semaphore_mem>>
        %dma_start3A_26 = arith.constant 0 : i32
        %dma_start3A_27 = arith.constant 0 : i32
        %dma_start3A_28 = tpu.memref_slice %arg2[%add3A, %scan3A_14, %dma_start3A_26, %dma_start3A_27] : memref<32x125x1x1600xi32, #tpu.memory_space<hbm>> -> memref<1x1x1x1600xi32, #tpu.memory_space<hbm>>
        %dma_start3A_29 = tpu.memref_squeeze %dma_start3A_28 : memref<1x1x1x1600xi32, #tpu.memory_space<hbm>> -> memref<1x1600xi32, #tpu.memory_space<hbm>>
        %dma_start3A_30 = arith.constant 0 : i32
        %dma_start3A_31 = arith.constant 0 : i32
        %dma_start3A_32 = tpu.memref_slice %arg2[%add3A, %scan3A_14, %dma_start3A_30, %dma_start3A_31] : memref<32x125x1x1600xi32, #tpu.memory_space<hbm>> -> memref<1x1x1x1600xi32, #tpu.memory_space<hbm>>
        %dma_start3A_33 = tpu.memref_squeeze %dma_start3A_32 : memref<1x1x1x1600xi32, #tpu.memory_space<hbm>> -> memref<1x1600xi32, #tpu.memory_space<hbm>>
        tpu.enqueue_dma source(%dma_start3A_33 : memref<1x1600xi32, #tpu.memory_space<hbm>>) target(%arg7 : memref<1x1600xi32, #tpu.memory_space<vmem>>) target_semaphore(%run_scoped3A_25 : memref<!tpu.dma_semaphore, #tpu.memory_space<semaphore_mem>>)
        %dma_wait3A_34 = arith.constant 0 : i32
        %dma_wait3A_35 = arith.constant 0 : i32
        %dma_wait3A_36 = tpu.memref_slice %arg2[%add3A, %scan3A_14, %dma_wait3A_34, %dma_wait3A_35] : memref<32x125x1x1600xi32, #tpu.memory_space<hbm>> -> memref<1x1x1x1600xi32, #tpu.memory_space<hbm>>
        %dma_wait3A_37 = tpu.memref_squeeze %dma_wait3A_36 : memref<1x1x1x1600xi32, #tpu.memory_space<hbm>> -> memref<1x1600xi32, #tpu.memory_space<hbm>>
        %dma_wait3A_38 = arith.constant 0 : i32
        %dma_wait3A_39 = arith.constant 0 : i32
        %dma_wait3A_40 = tpu.memref_slice %arg2[%add3A, %scan3A_14, %dma_wait3A_38, %dma_wait3A_39] : memref<32x125x1x1600xi32, #tpu.memory_space<hbm>> -> memref<1x1x1x1600xi32, #tpu.memory_space<hbm>>
        %dma_wait3A_41 = tpu.memref_squeeze %dma_wait3A_40 : memref<1x1x1x1600xi32, #tpu.memory_space<hbm>> -> memref<1x1600xi32, #tpu.memory_space<hbm>>
        tpu.wait_dma2 semaphore(%run_scoped3A_25 : memref<!tpu.dma_semaphore, #tpu.memory_space<semaphore_mem>>) src(%dma_wait3A_41 : memref<1x1600xi32, #tpu.memory_space<hbm>>) dst(%arg7 : memref<1x1600xi32, #tpu.memory_space<vmem>>)
        tpu.yield
      }) : () -> ()
      "tpu.region"() ({
        %run_scoped3A_25 = tpu.sem_alloc : memref<!tpu.dma_semaphore, #tpu.memory_space<semaphore_mem>>
        %dma_start3A_26 = arith.constant 0 : i32
        %dma_start3A_27 = arith.constant 0 : i32
        %dma_start3A_28 = tpu.memref_slice %arg3[%add3A, %scan3A_14, %dma_start3A_26, %dma_start3A_27] : memref<32x125x1x1600xi32, #tpu.memory_space<hbm>> -> memref<1x1x1x1600xi32, #tpu.memory_space<hbm>>
        %dma_start3A_29 = tpu.memref_squeeze %dma_start3A_28 : memref<1x1x1x1600xi32, #tpu.memory_space<hbm>> -> memref<1x1600xi32, #tpu.memory_space<hbm>>
        %dma_start3A_30 = arith.constant 0 : i32
        %dma_start3A_31 = arith.constant 0 : i32
        %dma_start3A_32 = tpu.memref_slice %arg3[%add3A, %scan3A_14, %dma_start3A_30, %dma_start3A_31] : memref<32x125x1x1600xi32, #tpu.memory_space<hbm>> -> memref<1x1x1x1600xi32, #tpu.memory_space<hbm>>
        %dma_start3A_33 = tpu.memref_squeeze %dma_start3A_32 : memref<1x1x1x1600xi32, #tpu.memory_space<hbm>> -> memref<1x1600xi32, #tpu.memory_space<hbm>>
        tpu.enqueue_dma source(%dma_start3A_33 : memref<1x1600xi32, #tpu.memory_space<hbm>>) target(%arg8 : memref<1x1600xi32, #tpu.memory_space<vmem>>) target_semaphore(%run_scoped3A_25 : memref<!tpu.dma_semaphore, #tpu.memory_space<semaphore_mem>>)
        %dma_wait3A_34 = arith.constant 0 : i32
        %dma_wait3A_35 = arith.constant 0 : i32
        %dma_wait3A_36 = tpu.memref_slice %arg3[%add3A, %scan3A_14, %dma_wait3A_34, %dma_wait3A_35] : memref<32x125x1x1600xi32, #tpu.memory_space<hbm>> -> memref<1x1x1x1600xi32, #tpu.memory_space<hbm>>
        %dma_wait3A_37 = tpu.memref_squeeze %dma_wait3A_36 : memref<1x1x1x1600xi32, #tpu.memory_space<hbm>> -> memref<1x1600xi32, #tpu.memory_space<hbm>>
        %dma_wait3A_38 = arith.constant 0 : i32
        %dma_wait3A_39 = arith.constant 0 : i32
        %dma_wait3A_40 = tpu.memref_slice %arg3[%add3A, %scan3A_14, %dma_wait3A_38, %dma_wait3A_39] : memref<32x125x1x1600xi32, #tpu.memory_space<hbm>> -> memref<1x1x1x1600xi32, #tpu.memory_space<hbm>>
        %dma_wait3A_41 = tpu.memref_squeeze %dma_wait3A_40 : memref<1x1x1x1600xi32, #tpu.memory_space<hbm>> -> memref<1x1600xi32, #tpu.memory_space<hbm>>
        tpu.wait_dma2 semaphore(%run_scoped3A_25 : memref<!tpu.dma_semaphore, #tpu.memory_space<semaphore_mem>>) src(%dma_wait3A_41 : memref<1x1600xi32, #tpu.memory_space<hbm>>) dst(%arg8 : memref<1x1600xi32, #tpu.memory_space<vmem>>)
        tpu.yield
      }) : () -> ()
      %dma_start3A = arith.constant 0 : i32
      %dma_start3A_15 = arith.constant 0 : i32
      %dma_start3A_16 = tpu.memref_slice %arg7[%dma_start3A, %dma_start3A_15] : memref<1x1600xi32, #tpu.memory_space<vmem>> -> memref<1x1600xi32, #tpu.memory_space<vmem>>
      %dma_start3A_17 = tpu.memref_squeeze %dma_start3A_16 : memref<1x1600xi32, #tpu.memory_space<vmem>> -> memref<1600xi32, #tpu.memory_space<vmem>>
      %dma_start3A_18 = arith.constant 0 : i32
      %dma_start3A_19 = tpu.memref_slice %arg10[%dma_start3A_18] : memref<200000xf32, #tpu.memory_space<vmem_shared>> -> memref<200000xf32, #tpu.memory_space<vmem_shared>>
      tpu.enqueue_indirect_dma source(%dma_start3A_19 : memref<200000xf32, #tpu.memory_space<vmem_shared>>) target(%arg9 : memref<1600xf32, #tpu.memory_space<vmem>>) offsets(%dma_start3A_17 : memref<1600xi32, #tpu.memory_space<vmem>>) semaphore(%arg12 : memref<!tpu.dma_semaphore, #tpu.memory_space<semaphore_mem>>)
      %dma_wait3A = arith.constant 0 : i32
      %dma_wait3A_20 = arith.constant 0 : i32
      %dma_wait3A_21 = tpu.memref_slice %arg7[%dma_wait3A, %dma_wait3A_20] : memref<1x1600xi32, #tpu.memory_space<vmem>> -> memref<1x1600xi32, #tpu.memory_space<vmem>>
      %dma_wait3A_22 = tpu.memref_squeeze %dma_wait3A_21 : memref<1x1600xi32, #tpu.memory_space<vmem>> -> memref<1600xi32, #tpu.memory_space<vmem>>
      %dma_wait3A_23 = arith.constant 0 : i32
      %dma_wait3A_24 = tpu.memref_slice %arg10[%dma_wait3A_23] : memref<200000xf32, #tpu.memory_space<vmem_shared>> -> memref<200000xf32, #tpu.memory_space<vmem_shared>>
      tpu.wait_indirect_dma semaphore(%arg12 : memref<!tpu.dma_semaphore, #tpu.memory_space<semaphore_mem>>) src(%dma_wait3A_24 : memref<200000xf32, #tpu.memory_space<vmem_shared>>) dst(%arg9 : memref<1600xf32, #tpu.memory_space<vmem>>)
      %run_scoped3A = arith.constant 0 : i32
      "tpu.region"() ({
        %run_scoped3A_25 = tpu.sem_alloc : memref<!tpu.dma_semaphore, #tpu.memory_space<semaphore_mem>>
        %dma_start3A_26 = arith.constant 0 : i32
        %dma_start3A_27 = tpu.memref_slice %arg8[%run_scoped3A, %dma_start3A_26] : memref<1x1600xi32, #tpu.memory_space<vmem>> -> memref<1x1600xi32, #tpu.memory_space<vmem>>
        %dma_start3A_28 = tpu.memref_squeeze %dma_start3A_27 : memref<1x1600xi32, #tpu.memory_space<vmem>> -> memref<1600xi32, #tpu.memory_space<vmem>>
        %dma_start3A_29 = arith.constant 0 : i32
        %dma_start3A_30 = tpu.memref_slice %arg11[%dma_start3A_29] : memref<200000xf32, #tpu.memory_space<vmem_shared>> -> memref<200000xf32, #tpu.memory_space<vmem_shared>>
        tpu.enqueue_indirect_dma source(%arg9 : memref<1600xf32, #tpu.memory_space<vmem>>) target(%dma_start3A_30 : memref<200000xf32, #tpu.memory_space<vmem_shared>>) offsets(%dma_start3A_28 : memref<1600xi32, #tpu.memory_space<vmem>>) semaphore(%run_scoped3A_25 : memref<!tpu.dma_semaphore, #tpu.memory_space<semaphore_mem>>) {add = true}
        %dma_wait3A_31 = arith.constant 0 : i32
        %dma_wait3A_32 = tpu.memref_slice %arg8[%run_scoped3A, %dma_wait3A_31] : memref<1x1600xi32, #tpu.memory_space<vmem>> -> memref<1x1600xi32, #tpu.memory_space<vmem>>
        %dma_wait3A_33 = tpu.memref_squeeze %dma_wait3A_32 : memref<1x1600xi32, #tpu.memory_space<vmem>> -> memref<1600xi32, #tpu.memory_space<vmem>>
        %dma_wait3A_34 = arith.constant 0 : i32
        %dma_wait3A_35 = tpu.memref_slice %arg11[%dma_wait3A_34] : memref<200000xf32, #tpu.memory_space<vmem_shared>> -> memref<200000xf32, #tpu.memory_space<vmem_shared>>
        tpu.wait_indirect_dma semaphore(%run_scoped3A_25 : memref<!tpu.dma_semaphore, #tpu.memory_space<semaphore_mem>>) src(%arg9 : memref<1600xf32, #tpu.memory_space<vmem>>) dst(%dma_wait3A_35 : memref<200000xf32, #tpu.memory_space<vmem_shared>>)
        tpu.yield
      }) : () -> ()
    }
    %scan3A_7 = arith.constant 125 : i32
    %barrier3A_8 = arith.constant 0 : index
    tpu.barrier barrier_id(%barrier3A_8)
    %eq3A_9 = arith.constant 0 : i32
    %eq3A_10 = arith.cmpi eq, %arg1, %eq3A_9 : i32
    %convert_element_type3A_11 = arith.extui %eq3A_10 : i1 to i32
    %cond3A_12 = arith.constant 0 : i32
    %cond3A_13 = arith.cmpi ne, %convert_element_type3A_11, %cond3A_12 : i32
    scf.if %cond3A_13 {
      "tpu.region"() ({
        %run_scoped3A = tpu.sem_alloc : memref<!tpu.dma_semaphore, #tpu.memory_space<semaphore_mem>>
        %dma_start3A = arith.constant 0 : i32
        %dma_start3A_14 = tpu.memref_slice %arg6[%arg0, %dma_start3A] : memref<2x200000xf32, #tpu.memory_space<hbm>> -> memref<1x200000xf32, #tpu.memory_space<hbm>>
        %dma_start3A_15 = tpu.memref_squeeze %dma_start3A_14 : memref<1x200000xf32, #tpu.memory_space<hbm>> -> memref<200000xf32, #tpu.memory_space<hbm>>
        tpu.enqueue_dma source(%arg11 : memref<200000xf32, #tpu.memory_space<vmem_shared>>) target(%dma_start3A_15 : memref<200000xf32, #tpu.memory_space<hbm>>) target_semaphore(%run_scoped3A : memref<!tpu.dma_semaphore, #tpu.memory_space<semaphore_mem>>)
        %dma_wait3A = arith.constant 0 : i32
        %dma_wait3A_16 = tpu.memref_slice %arg6[%arg0, %dma_wait3A] : memref<2x200000xf32, #tpu.memory_space<hbm>> -> memref<1x200000xf32, #tpu.memory_space<hbm>>
        %dma_wait3A_17 = tpu.memref_squeeze %dma_wait3A_16 : memref<1x200000xf32, #tpu.memory_space<hbm>> -> memref<200000xf32, #tpu.memory_space<hbm>>
        tpu.wait_dma2 semaphore(%run_scoped3A : memref<!tpu.dma_semaphore, #tpu.memory_space<semaphore_mem>>) src(%arg11 : memref<200000xf32, #tpu.memory_space<vmem_shared>>) dst(%dma_wait3A_17 : memref<200000xf32, #tpu.memory_space<hbm>>)
        tpu.yield
      }) : () -> ()
    } else {
    }
    return
  }
}

module attributes {stable_mosaic.version = 14 : i64} {
  func.func @_mm_body(%arg0: memref<10000x128xf32, #tpu.memory_space<vmem>>, %arg1: memref<128x20xf32, #tpu.memory_space<vmem>>, %arg2: memref<10000x20xf32, #tpu.memory_space<vmem>>) attributes {dimension_semantics = [], scalar_prefetch = 0 : i64, scratch_operands = 0 : i64, tpu.core_type = #tpu.core_type<tc>} {
    %get3A = arith.constant 0 : index
    %get3A_0 = arith.constant 0 : index
    %get3A_1 = vector.load %arg0[%get3A, %get3A_0] : memref<10000x128xf32, #tpu.memory_space<vmem>>, vector<10000x128xf32>
    %get3A_2 = arith.constant 0 : index
    %get3A_3 = arith.constant 0 : index
    %get3A_4 = vector.load %arg1[%get3A_2, %get3A_3] : memref<128x20xf32, #tpu.memory_space<vmem>>, vector<128x20xf32>
    %dot_general3A = arith.constant dense<0.000000e+00> : vector<10000x20xf32>
    %dot_general3A_5 = tpu.matmul %get3A_1, %get3A_4, %dot_general3A {dimension_numbers = #tpu.dot_dimension_numbers<[1], [0], [0], [1], [0, 0, 1, 1], [], []>, transpose_lhs_hint = false} : vector<10000x128xf32>, vector<128x20xf32>, vector<10000x20xf32> -> vector<10000x20xf32>
    %swap3A = arith.constant 0 : index
    %swap3A_6 = arith.constant 0 : index
    %swap3A_7 = vector.load %arg2[%swap3A, %swap3A_6] : memref<10000x20xf32, #tpu.memory_space<vmem>>, vector<10000x20xf32>
    tpu.vector_store %arg2[%swap3A, %swap3A_6], %dot_general3A_5 {strides = array<i32>} : memref<10000x20xf32, #tpu.memory_space<vmem>>, vector<10000x20xf32>,
    return
  }
}

module attributes {stable_mosaic.version = 14 : i64} {
  func.func @_scale_body(%arg0: memref<2x10000xf32, #tpu.memory_space<vmem>>, %arg1: memref<10000x20xf32, #tpu.memory_space<vmem>>, %arg2: memref<10000xf32, #tpu.memory_space<vmem>>, %arg3: memref<10000x20xf32, #tpu.memory_space<vmem>>) attributes {dimension_semantics = [], scalar_prefetch = 0 : i64, scratch_operands = 0 : i64, tpu.core_type = #tpu.core_type<tc>} {
    %get3A = arith.constant 0 : index
    %get3A_0 = arith.constant 0 : index
    %get3A_1 = vector.load %arg0[%get3A, %get3A_0] : memref<2x10000xf32, #tpu.memory_space<vmem>>, vector<1x10000xf32>
    %get3A_2 = vector.shape_cast %get3A_1 : vector<1x10000xf32> to vector<10000xf32>
    %get3A_3 = arith.constant 1 : index
    %get3A_4 = arith.constant 0 : index
    %get3A_5 = vector.load %arg0[%get3A_3, %get3A_4] : memref<2x10000xf32, #tpu.memory_space<vmem>>, vector<1x10000xf32>
    %get3A_6 = vector.shape_cast %get3A_5 : vector<1x10000xf32> to vector<10000xf32>
    %add3A = arith.addf %get3A_2, %get3A_6 : vector<10000xf32>
    %add3A_7 = arith.constant 1.000000e+00 : f32
    %add3A_8 = vector.broadcast %add3A_7 : f32 to vector<10000xf32>
    %add3A_9 = arith.addf %add3A, %add3A_8 : vector<10000xf32>
    %rsqrt3A = math.rsqrt %add3A_9 : vector<10000xf32>
    %swap3A = arith.constant 0 : index
    %swap3A_10 = vector.load %arg2[%swap3A] : memref<10000xf32, #tpu.memory_space<vmem>>, vector<10000xf32>
    tpu.vector_store %arg2[%swap3A], %rsqrt3A {strides = array<i32>} : memref<10000xf32, #tpu.memory_space<vmem>>, vector<10000xf32>,
    %broadcast_in_dim3A = vector.shape_cast %rsqrt3A : vector<10000xf32> to vector<10000x1xf32>
    %get3A_11 = arith.constant 0 : index
    %get3A_12 = arith.constant 0 : index
    %get3A_13 = vector.load %arg1[%get3A_11, %get3A_12] : memref<10000x20xf32, #tpu.memory_space<vmem>>, vector<10000x20xf32>
    %mul3A = vector.broadcast %broadcast_in_dim3A : vector<10000x1xf32> to vector<10000x20xf32>
    %mul3A_14 = arith.mulf %mul3A, %get3A_13 : vector<10000x20xf32>
    %swap3A_15 = arith.constant 0 : index
    %swap3A_16 = arith.constant 0 : index
    %swap3A_17 = vector.load %arg3[%swap3A_15, %swap3A_16] : memref<10000x20xf32, #tpu.memory_space<vmem>>, vector<10000x20xf32>
    tpu.vector_store %arg3[%swap3A_15, %swap3A_16], %mul3A_14 {strides = array<i32>} : memref<10000x20xf32, #tpu.memory_space<vmem>>, vector<10000x20xf32>,
    return
  }
}

module attributes {stable_mosaic.version = 14 : i64} {
  func.func @_mid_body(%arg0: memref<10000xf32, #tpu.memory_space<vmem>>, %arg1: memref<2x10000x20xf32, #tpu.memory_space<vmem>>, %arg2: memref<10000x20xf32, #tpu.memory_space<vmem>>, %arg3: memref<20xf32, #tpu.memory_space<vmem>>, %arg4: memref<20x10xf32, #tpu.memory_space<vmem>>, %arg5: memref<10000x10xf32, #tpu.memory_space<vmem>>) attributes {dimension_semantics = [], scalar_prefetch = 0 : i64, scratch_operands = 0 : i64, tpu.core_type = #tpu.core_type<tc>} {
    %get3A = arith.constant 0 : index
    %get3A_0 = vector.load %arg0[%get3A] : memref<10000xf32, #tpu.memory_space<vmem>>, vector<10000xf32>
    %get3A_1 = arith.constant 0 : index
    %get3A_2 = arith.constant 0 : index
    %get3A_3 = arith.constant 0 : index
    %get3A_4 = vector.load %arg1[%get3A_1, %get3A_2, %get3A_3] : memref<2x10000x20xf32, #tpu.memory_space<vmem>>, vector<1x10000x20xf32>
    %get3A_5 = vector.shape_cast %get3A_4 : vector<1x10000x20xf32> to vector<10000x20xf32>
    %get3A_6 = arith.constant 1 : index
    %get3A_7 = arith.constant 0 : index
    %get3A_8 = arith.constant 0 : index
    %get3A_9 = vector.load %arg1[%get3A_6, %get3A_7, %get3A_8] : memref<2x10000x20xf32, #tpu.memory_space<vmem>>, vector<1x10000x20xf32>
    %get3A_10 = vector.shape_cast %get3A_9 : vector<1x10000x20xf32> to vector<10000x20xf32>
    %add3A = arith.addf %get3A_5, %get3A_10 : vector<10000x20xf32>
    %get3A_11 = arith.constant 0 : index
    %get3A_12 = arith.constant 0 : index
    %get3A_13 = vector.load %arg2[%get3A_11, %get3A_12] : memref<10000x20xf32, #tpu.memory_space<vmem>>, vector<10000x20xf32>
    %add3A_14 = arith.addf %add3A, %get3A_13 : vector<10000x20xf32>
    %broadcast_in_dim3A = vector.shape_cast %get3A_0 : vector<10000xf32> to vector<10000x1xf32>
    %mul3A = vector.broadcast %broadcast_in_dim3A : vector<10000x1xf32> to vector<10000x20xf32>
    %mul3A_15 = arith.mulf %mul3A, %add3A_14 : vector<10000x20xf32>
    %get3A_16 = arith.constant 0 : index
    %get3A_17 = vector.load %arg3[%get3A_16] : memref<20xf32, #tpu.memory_space<vmem>>, vector<20xf32>
    %broadcast_in_dim3A_18 = vector.shape_cast %get3A_17 : vector<20xf32> to vector<1x20xf32>
    %add3A_19 = vector.broadcast %broadcast_in_dim3A_18 : vector<1x20xf32> to vector<10000x20xf32>
    %add3A_20 = arith.addf %mul3A_15, %add3A_19 : vector<10000x20xf32>
    %max3A = arith.constant 0.000000e+00 : f32
    %max3A_21 = vector.broadcast %max3A : f32 to vector<10000x20xf32>
    %max3A_22 = arith.maximumf %add3A_20, %max3A_21 : vector<10000x20xf32>
    %get3A_23 = arith.constant 0 : index
    %get3A_24 = arith.constant 0 : index
    %get3A_25 = vector.load %arg4[%get3A_23, %get3A_24] : memref<20x10xf32, #tpu.memory_space<vmem>>, vector<20x10xf32>
    %dot_general3A = arith.constant dense<0.000000e+00> : vector<10000x10xf32>
    %dot_general3A_26 = tpu.matmul %max3A_22, %get3A_25, %dot_general3A {dimension_numbers = #tpu.dot_dimension_numbers<[1], [0], [0], [1], [0, 0, 1, 1], [], []>, transpose_lhs_hint = false} : vector<10000x20xf32>, vector<20x10xf32>, vector<10000x10xf32> -> vector<10000x10xf32>
    %broadcast_in_dim3A_27 = vector.shape_cast %get3A_0 : vector<10000xf32> to vector<10000x1xf32>
    %mul3A_28 = vector.broadcast %broadcast_in_dim3A_27 : vector<10000x1xf32> to vector<10000x10xf32>
    %mul3A_29 = arith.mulf %mul3A_28, %dot_general3A_26 : vector<10000x10xf32>
    %swap3A = arith.constant 0 : index
    %swap3A_30 = arith.constant 0 : index
    %swap3A_31 = vector.load %arg5[%swap3A, %swap3A_30] : memref<10000x10xf32, #tpu.memory_space<vmem>>, vector<10000x10xf32>
    tpu.vector_store %arg5[%swap3A, %swap3A_30], %mul3A_29 {strides = array<i32>} : memref<10000x10xf32, #tpu.memory_space<vmem>>, vector<10000x10xf32>,
    return
  }
}

module attributes {stable_mosaic.version = 14 : i64} {
  func.func @_out_body(%arg0: memref<10000xf32, #tpu.memory_space<vmem>>, %arg1: memref<2x10000x10xf32, #tpu.memory_space<vmem>>, %arg2: memref<10000x10xf32, #tpu.memory_space<vmem>>, %arg3: memref<10xf32, #tpu.memory_space<vmem>>, %arg4: memref<10000x10xf32, #tpu.memory_space<vmem>>) attributes {dimension_semantics = [], scalar_prefetch = 0 : i64, scratch_operands = 0 : i64, tpu.core_type = #tpu.core_type<tc>} {
    %get3A = arith.constant 0 : index
    %get3A_0 = vector.load %arg0[%get3A] : memref<10000xf32, #tpu.memory_space<vmem>>, vector<10000xf32>
    %get3A_1 = arith.constant 0 : index
    %get3A_2 = arith.constant 0 : index
    %get3A_3 = arith.constant 0 : index
    %get3A_4 = vector.load %arg1[%get3A_1, %get3A_2, %get3A_3] : memref<2x10000x10xf32, #tpu.memory_space<vmem>>, vector<1x10000x10xf32>
    %get3A_5 = vector.shape_cast %get3A_4 : vector<1x10000x10xf32> to vector<10000x10xf32>
    %get3A_6 = arith.constant 1 : index
    %get3A_7 = arith.constant 0 : index
    %get3A_8 = arith.constant 0 : index
    %get3A_9 = vector.load %arg1[%get3A_6, %get3A_7, %get3A_8] : memref<2x10000x10xf32, #tpu.memory_space<vmem>>, vector<1x10000x10xf32>
    %get3A_10 = vector.shape_cast %get3A_9 : vector<1x10000x10xf32> to vector<10000x10xf32>
    %add3A = arith.addf %get3A_5, %get3A_10 : vector<10000x10xf32>
    %get3A_11 = arith.constant 0 : index
    %get3A_12 = arith.constant 0 : index
    %get3A_13 = vector.load %arg2[%get3A_11, %get3A_12] : memref<10000x10xf32, #tpu.memory_space<vmem>>, vector<10000x10xf32>
    %add3A_14 = arith.addf %add3A, %get3A_13 : vector<10000x10xf32>
    %broadcast_in_dim3A = vector.shape_cast %get3A_0 : vector<10000xf32> to vector<10000x1xf32>
    %mul3A = vector.broadcast %broadcast_in_dim3A : vector<10000x1xf32> to vector<10000x10xf32>
    %mul3A_15 = arith.mulf %mul3A, %add3A_14 : vector<10000x10xf32>
    %get3A_16 = arith.constant 0 : index
    %get3A_17 = vector.load %arg3[%get3A_16] : memref<10xf32, #tpu.memory_space<vmem>>, vector<10xf32>
    %broadcast_in_dim3A_18 = vector.shape_cast %get3A_17 : vector<10xf32> to vector<1x10xf32>
    %add3A_19 = vector.broadcast %broadcast_in_dim3A_18 : vector<1x10xf32> to vector<10000x10xf32>
    %add3A_20 = arith.addf %mul3A_15, %add3A_19 : vector<10000x10xf32>
    %swap3A = arith.constant 0 : index
    %swap3A_21 = arith.constant 0 : index
    %swap3A_22 = vector.load %arg4[%swap3A, %swap3A_21] : memref<10000x10xf32, #tpu.memory_space<vmem>>, vector<10000x10xf32>
    tpu.vector_store %arg4[%swap3A, %swap3A_21], %add3A_20 {strides = array<i32>} : memref<10000x10xf32, #tpu.memory_space<vmem>>, vector<10000x10xf32>,
    return
  }
}

</mosaic_0001>

<sc_bundles>
// kernel: kernel.12.cloned.1.call-start
scs
__scs_entry_jumppad:
0x0: {  	(pc) =	sbr.rel $0x88, $3  }
0x1: {  	(tag) =	ssettag $0x0;
	lr =	simm.s32 $0x1  }
0x2: {  	[smem:$0x3F9B] =	sst lr;
	_ =	strace $0xD0000000  }
0x3: {  	_ = 	snop  }
0x4: {  	_ = 	snop  }
0x5: {  	_ = 	snop  }
0x6: {  	_ = 	snop  }
0x7: {  	_ = 	snop  }
__scs_overlays_trampoline_lowered:
0x8: {  	[smem:$0x3FAA] =	sst s0  }
0x9: {  	[smem:$0x3FAB] =	sst s1  }
0xa: {  	[smem:$0x3FAC] =	sst s2  }
0xb: {  	[smem:$0x3FAD] =	sst s3  }
0xc: {  	[smem:$0x3FAE] =	sst s4  }
0xd: {  	[smem:$0x3FAF] =	sst s5  }
0xe: {  	[smem:$0x3FB0] =	sst s6  }
0xf: {  	[smem:$0x3FB1] =	sst s7  }
0x10: {  	[smem:$0x3FB2] =	sst s8  }
0x11: {  	[smem:$0x3FB3] =	sst s9;
	s0 =	simm.s32 @!p0 $0x0  }
0x12: {  	s1 =	sld [smem:$0x3F99];
	s0 =	simm.s32 @p0 $0x1  }
0x13: {  	[smem:$0x3FB4] =	sst s0;
	s0 =	simm.s32 @!p1 $0x0  }
0x14: {  	s2 =	sld [smem:$0x3F98];
	s0 =	simm.s32 @p1 $0x1  }
0x15: {  	[smem:$0x3FB5] =	sst s0;
	s0 =	simm.s32 @!p2 $0x0  }
0x16: {  	s3 =	sld [smem:$0x3FDB];
	s0 =	simm.s32 @p2 $0x1  }
0x17: {  	s4 =	simm.s32 $0x1BF5;
	[smem:$0x3FB7] =	sst s0  }
0x18: {  	s0 =	sld [smem:$0x3F9A];
	_ =	swait.ge [sflag:s4], $0x0  }
0x19: {  	s7 =	sld [smem:$0x3F9B]  }
0x1a: {  	s8 =	sadd.s32 $0xFFFFE003, lr  }
0x1b: {  	s9 =	sadd.s32 $0xFFFFFEF7, lr;
	s5 =	simm.s32 $0xFFFFFFFF;
	p2 =	slt.u32 s8, $0xFFFFF086  }
0x1c: {  	p1 =	slt.u32 s9, $0xF7A;
	s5 =	simm.s32 @!p2 $0x0  }
0x1d: {  	s5 =	simm.s32 @p1 $0x1;
	p0 =	seq.s32 s7, s2  }
0x1e: {  	s7 =	smul.u32 @!p0 $0xF7A, s2;
	p2 =	seq.s32 @!p0 s5, $0x0  }
0x1f: {  	s9 =	smul.u32 $0xF7A, s1;
	s8 =	simm.s32 @!p0 $0x1BF5;
	p2 =	por !p2, p0  }
0x20: {  	[sflag:s8] =	ssyncset.s32 @!p0 $0xFFFFF086;
	s6 =	sadd.s32 @!p0 s3, s7;
	s7 =	simm.s32 @!p0 $0x108  }
0x21: {  	s3 =	sadd.s32 s3, s9;
	s6 =	sadd.s32 @!p0 $0x88, s6;
	s7 =	simm.s32 @p2 $0x1082  }
0x22: {  	[simem:s7], [sflag:s8] =	dma.local @!p0 [hbm:s6], $0xF7A  }
0x23: {  	s9 =	sor.u32 $0xD0000000, s2;
	s6 =	simm.s32 $0x108;
	_ =	swait.ge @!p0 [sflag:s8], $0x0  }
0x24: {  	s3 =	sadd.s32 $0x88, s3;
	s6 =	simm.s32 @!p1 $0x1082;
	[sflag:s4] =	ssyncset.s32 $0xFFFFF086  }
0x25: {  	[simem:s6], [sflag:s4] =	dma.local [hbm:s3], $0xF7A  }
0x26: {  	[smem:$0x3F9B] =	sst s1;
	(tag) =	ssettag s2;
	_ =	strace s9  }
0x27: {  	s1 =	sld [smem:$0x3FAB]  }
0x28: {  	s2 =	sld [smem:$0x3FAC]  }
0x29: {  	s4 =	sld [smem:$0x3FAE]  }
0x2a: {  	p0 =	seq.s32 s5, $0x0;
	s5 =	sld [smem:$0x3FAF]  }
0x2b: {  	s6 =	sld [smem:$0x3FB0]  }
0x2c: {  	s7 =	sld [smem:$0x3FB1]  }
0x2d: {  	s3 =	simm.s32 $0x108;
	s8 =	sld [smem:$0x3FB2]  }
0x2e: {  	s3 =	simm.s32 @!p0 $0x1082;
	s9 =	sld [smem:$0x3FB3]  }
0x2f: {  	lr =	sadd.s32 s0, s3;
	s0 =	sld [smem:$0x3FAA]  }
0x30: {  	s3 =	sld [smem:$0x3FAD]  }
0x31: {  	[smem:$0x3FB6] =	sst s10  }
0x32: {  	s10 =	sld [smem:$0x3FB4];
	_ =	sdelay $0x3  }
0x33: {  	p0 =	seq.s32 s10, $0x1;
	s10 =	sld [smem:$0x3FB6];
	_ =	sdelay $0x3  }
0x34: {  	[smem:$0x3FB6] =	sst s10  }
0x35: {  	s10 =	sld [smem:$0x3FB5];
	_ =	sdelay $0x3  }
0x36: {  	p1 =	seq.s32 s10, $0x1;
	s10 =	sld [smem:$0x3FB6];
	_ =	sdelay $0x3  }
0x37: {  	[smem:$0x3FB6] =	sst s10  }
0x38: {  	s10 =	sld [smem:$0x3FB7]  }
0x39: {  	_ = 	snop;
	(pc) =	sbr.ind lr, $3  }
0x3a: {  	_ = 	snop  }
0x3b: {  	_ = 	snop  }
0x3c: {  	p2 =	seq.s32 s10, $0x1;
	s10 =	sld [smem:$0x3FB6]  }
0x3d: {  	_ =	shalt  }
0x3e: {  	_ =	shalt  }
0x3f: {  	_ =	shalt  }
0x40: {  	_ =	shalt  }
0x41: {  	_ =	shalt  }
0x42: {  	_ =	shalt  }
0x43: {  	_ =	shalt  }
0x44: {  	_ =	shalt  }
0x45: {  	_ =	shalt  }
0x46: {  	_ =	shalt  }
0x47: {  	_ =	shalt  }
0x48: {  	_ =	shalt  }
0x49: {  	_ =	shalt  }
0x4a: {  	_ =	shalt  }
0x4b: {  	_ =	shalt  }
0x4c: {  	_ =	shalt  }
0x4d: {  	_ =	shalt  }
0x4e: {  	_ =	shalt  }
0x4f: {  	_ =	shalt  }
0x50: {  	_ =	shalt  }
0x51: {  	_ =	shalt  }
0x52: {  	_ =	shalt  }
0x53: {  	_ =	shalt  }
0x54: {  	_ =	shalt  }
0x55: {  	_ =	shalt  }
0x56: {  	_ =	shalt  }
0x57: {  	_ =	shalt  }
0x58: {  	_ =	shalt  }
0x59: {  	_ =	shalt  }
0x5a: {  	_ =	shalt  }
0x5b: {  	_ =	shalt  }
0x5c: {  	_ =	shalt  }
0x5d: {  	_ =	shalt  }
0x5e: {  	_ =	shalt  }
0x5f: {  	_ =	shalt  }
0x60: {  	_ =	shalt  }
0x61: {  	_ =	shalt  }
0x62: {  	_ =	shalt  }
0x63: {  	_ =	shalt  }
0x64: {  	_ =	shalt  }
0x65: {  	_ =	shalt  }
0x66: {  	_ =	shalt  }
0x67: {  	_ =	shalt  }
0x68: {  	_ =	shalt  }
0x69: {  	_ =	shalt  }
0x6a: {  	_ =	shalt  }
0x6b: {  	_ =	shalt  }
0x6c: {  	_ =	shalt  }
0x6d: {  	_ =	shalt  }
0x6e: {  	_ =	shalt  }
0x6f: {  	_ =	shalt  }
0x70: {  	_ =	shalt  }
0x71: {  	_ =	shalt  }
0x72: {  	_ =	shalt  }
0x73: {  	_ =	shalt  }
0x74: {  	_ =	shalt  }
0x75: {  	_ =	shalt  }
0x76: {  	_ =	shalt  }
0x77: {  	_ =	shalt  }
0x78: {  	_ =	shalt  }
0x79: {  	_ =	shalt  }
0x7a: {  	_ =	shalt  }
0x7b: {  	_ =	shalt  }
0x7c: {  	_ =	shalt  }
0x7d: {  	_ =	shalt  }
0x7e: {  	_ =	shalt  }
0x7f: {  	_ =	shalt  }
0x80: {  	_ =	shalt  }
0x81: {  	_ =	shalt  }
0x82: {  	_ =	shalt  }
0x83: {  	_ =	shalt  }
0x84: {  	_ =	shalt  }
0x85: {  	_ =	shalt  }
0x86: {  	_ =	shalt  }
0x87: {  	_ =	shalt  }
.Lfunc_end0:
.L_simem_size_0:
called_computation.1_lowered:
.L_overlay_start_0:
0x88: {  	s2 =	sld [smem:$0x3FD9]  }
0x89: {  	s3 =	sld [smem:$0x3FFE];
	_ =	sdelay $0x1  }
0x8a: {  	s1 =	srdreg.scid  }
0x8b: {  	s0 =	sand.u32 $0x1, s1  }
0x8c: {  	s16 =	sshll.u32 s0, $0xA;
	s2 =	sadd.s32 s3, s2  }
0x8d: {  	s2 =	sadd.s32 s2, s16  }
0x8e: {  	[smem:$0x3FC2] =	sst s2  }
0x8f: {  	_ = 	snop  }
0x90: {  	(tm) =	ssettm $0x1  }
0x91: {  	s17 =	sld [smem:$0x3FFB];
	_ =	sdelay $0x3  }
0x92: {  	_ =	strace s17  }
0x93: {  	s2 =	sld [smem:$0x3FFC];
	_ =	sdelay $0x3  }
0x94: {  	_ =	strace s2  }
0x95: {  	s2 =	sld [smem:$0x3FFD];
	_ =	sdelay $0x3  }
0x96: {  	_ =	strace s2  }
0x97: {  	_ =	strace $0x8FFFFFFF  }
0x98: {  	s18 =	sld [smem:$0x3FDB];
	_ =	sdelay $0x1  }
0x99: {  	s19 =	simm.s32 $_scs_section_size  }
0x9a: {  	s4 =	simm.s32 $_size__tile_overlayer_lowered;
	s5 =	simm.s32 $_tile_overlayer_lowered  }
0x9b: {  	s22 =	simm.s32 $0x1BFF;
	s21 =	sshll.u32 s5, $0x1;
	s2 =	sadd.s32 s19, s18  }
0x9c: {  	s6 =	simm.s32 $0x0;
	s20 =	sshll.u32 s4, $0x1;
	s4 =	sadd.s32 s21, s2  }
0x9d: {  	[timem:s6], [sflag:s22] =	dma.local [hbm:s4], s20  }
0x9e: {  	_ =	swait.ge [sflag:s22], s20  }
0x9f: {  	s3 =	ssub.s32 $0x0, s20;
	[sflag:s22] =	ssyncset.done $0x0  }
0xa0: {  	[sflag:s22] =	ssyncadd.s32 s3;
	_ =	sdelay $0x1  }
0xa1: {  	s23 =	simm.s32 $0x1B8B  }
0xa2: {  	_ =	swait.ge [sflag:s23], $0x1  }
0xa3: {  	[sflag:s23] =	ssyncset.done $0x0  }
0xa4: {  	s25 =	simm.s32 $0x1B8E;
	s24 =	sld [smem:$0x3FFE];
	[sflag:s23] =	ssyncadd.s32 $0xFFFFFFFF  }
0xa5: {  	s26 =	simm.s32 $execute0_lowered;
	[smem:$0x3FD2] =	sst s25  }
0xa6: {  	s4 =	sshll.u32 s26, $0x1;
	_ =	strace $0x80000049;
	[dreg:$0x1] =	wrdreg $0xFFFFFFFF  }
0xa7: {  	s28 =	simm.s32 $_size_execute0_lowered;
	s2 =	sadd.s32 s2, s4;
	[dreg:$0x0] =	wrdreg $0x0  }
0xa8: {  	s4 =	sshll.u32 s28, $0x1;
	[dreg:$0x2] =	wrdreg s2  }
0xa9: {  	[dreg:$0x3] =	wrdreg s4  }
0xaa: {  	[dreg:$0x4] =	wrdreg $0xC0  }
0xab: {  	_ =	task [dreg:s6], $0x5FFFF  }
0xac: {  	[dreg:$0x1] =	wrdreg $0xFFFFFFFF  }
0xad: {  	[dreg:$0x0] =	wrdreg $0x60  }
0xae: {  	[dreg:$0x2] =	wrdreg s24  }
0xaf: {  	[dreg:$0x3] =	wrdreg $0x44580  }
0xb0: {  	[dreg:$0x4] =	wrdreg $0x13800  }
0xb1: {  	[dreg:$0x5] =	wrdreg $0x9  }
0xb2: {  	_ =	task.clear_ibuf [dreg:s6], $0x6FFFF;
	_ =	strace $0x90000049  }
0xb3: {  	s29 =	simm.s32 $0x9;
	_ =	strace $0x8000004B  }
0xb4: {  	_ =	swait.ge [sflag:s29], $0x1  }
0xb5: {  	[sflag:s29] =	ssyncadd.s32 $0xFFFFFFFF  }
0xb6: {  	_ =	strace $0x9000004B  }
0xb7: {  	_ =	sfence  }
0xb8: {  	s30 =	sld [smem:$0x0];
	_ =	sdelay $0x2  }
0xb9: {  	s31 =	sshll.u32 s1, $0xD;
	s1 =	sshrl.u32 s1, $0x2  }
0xba: {  	s3 =	sand.u32 $0x4000, s31;
	s1 =	sadd.s32 s1, s30  }
0xbb: {  	s0 =	sor.u32 s3, s0;
	s1 =	sshll.u32 s1, $0x11  }
0xbc: {  	s0 =	sor.u32 s1, s0  }
0xbd: {  	s0 =	sadd.s32 $0x8F2B, s0  }
0xbe: {  	[sflag:s0] =	ssyncadd.remote.s32 $0x1  }
0xbf: {  	_ =	sfence.sel $0xFFFF  }
0xc0: {  	[dreg:$0x0] =	wrdreg $0xFFFFFFFF;
	(pc) =	sbr.abs _section_cstart, $3  }
0xc1: {  	[dreg:$0x1] =	wrdreg $0xFFFFFFFF  }
0xc2: {  	_ =	task.clear_ibuf [dreg:s6], $0x2FFFF;
	_ =	strace $0x9FFFFFFF  }
0xc3: {  	(tm) =	ssettm $0x7FFFFFFF  }
tec
execute0_lowered:
.L_overlay_start_1:
0x0: {  	(tag) =	ssettag $0x1  }
0x1: {  	s5 =	rddreg [dreg:$0x0]  }
0x2: {  	s0 =	srdreg.scid;
	s1 =	rddreg [dreg:$0x1]  }
0x3: {  	s9 =	stileid.u32;
	s2 =	rddreg [dreg:$0x2]  }
0x4: {  	s3 =	simm.s32 $0x0;
	s12 =	simm.s32 $0x2;
	s13 =	simm.s32 $0x680  }
0x5: {  	s14 =	simm.s32 $0x640;
	s15 =	simm.s32 $0xD00;
	s16 =	simm.s32 $0x1  }
0x6: {  	s4 =	sand.u32 $0x1, s0;
	s6 =	smul.u32 $0x65900, s9;
	s0 =	rddreg [dreg:$0x3]  }
0x7: {  	s17 =	simm.s32 $0x0;
	[smem:$0x7FF] =	sst s3;
	s7 =	smul.u32 $0x32C80, s4  }
0x8: {  	p0 =	sne.s32 s9, $0x0;
	_ =	strace $0x8000004A;
	s30 =	sshll.u32 s4, $0x4  }
0x9: {  	s31 =	ssub.s32 $0x2, s4;
	s4 =	sadd.s32 $0xBA00, s5;
	s6 =	sadd.s32 s7, s6  }
0xa: {  	s11 =	sshrl.u32 @!p0 s2, $0x3;
	s8 =	sshrl.u32 s31, $0x1;
	s6 =	sshrl.u32 s6, $0x3  }
0xb: {  	s7 =	ssub.s32 s31, s8;
	s10 =	sadd.s32 s6, s5;
	s6 =	sadd.s32 s30, s5  }
0xc: {  	s7 =	smax.u32 s7, $0x1;
	s5 =	sadd.s32 $0x11C00, s5;
	s6 =	sadd.s32 $0x1B2400, s6  }
0xd: {  	s8 =	sadd.s32 $0x1C000, s10;
	s9 =	sadd.s32 $0xE7200, s10;
	s10 =	sshrl.u32 @!p0 s1, $0x3  }
.LBB2_1:
0xe: {  	s18 =	simm.s32 @!p0 $0x1C02;
	s19 =	simm.s32 @!p0 $0x2  }
0xf: {  	[spmem:s10], [sflag:s18] =	dma.local @!p0 [hbm:s5], $0x61B0  }
0x10: {  	_ =	swait.ge @!p0 [sflag:s19], $0x61B0  }
0x11: {  	[sflag:s19] =	ssyncset.done @!p0 $0x0  }
0x12: {  	[sflag:s19] =	ssyncadd.s32 @!p0 $0xFFFF9E50  }
0x13: {  	[spmem:s11], [sflag:s18] =	dma.local @!p0 [hbm:s4], $0x61B0  }
0x14: {  	_ =	swait.ge @!p0 [sflag:s19], $0x61B0  }
0x15: {  	[sflag:s19] =	ssyncset.done @!p0 $0x0  }
0x16: {  	[sflag:s19] =	ssyncadd.s32 @!p0 $0xFFFF9E50  }
0x17: {  	s30 =	sadd.s32 $0x0, s9;
	[bflag:$0x0] =	sbarrier.arrive $0xFFFF  }
0x18: {  	[tilespmem:s3], [sflag:$0x2] =	stream.linear.gather [hbm4b:s30+s3], $0x680, $0x38;
	[tilespmem:$0x7530] =	vst v63  }
0x19: {  	_ =	swait.ge [sflag:s12], $0x680  }
0x1a: {  	[sflag:s12] =	ssyncset.done $0x0  }
0x1b: {  	s31 =	sadd.s32 $0x0, s8;
	[sflag:s12] =	ssyncadd.s32 $0xFFFFF980  }
0x1c: {  	[tilespmem:s13], [sflag:$0x2] =	stream.linear.gather [hbm4b:s31+s3], $0x680, $0x38;
	[tilespmem:$0x7530] =	vst v63  }
0x1d: {  	_ =	swait.ge [sflag:s12], $0x680  }
0x1e: {  	[sflag:s12] =	ssyncset.done $0x0  }
0x1f: {  	[sflag:s12] =	ssyncadd.s32 $0xFFFFF980  }
0x20: {  	[tilespmem:s15], [sflag:$0x1] =	stream.indirect.gather [spmem:s2], $0x1, s3, s14, $0xb8;
	[tilespmem:$0x7530] =	vst v63  }
0x21: {  	_ =	swait.ge [sflag:s16], $0x640  }
0x22: {  	[sflag:s16] =	ssyncset.done $0x0  }
0x23: {  	[sflag:s16] =	ssyncadd.s32 $0xFFFFF9C0  }
0x24: {  	[spmem:s1] =	stream.indirect.scatter.add.f32 [tilespmem:s15], [sflag:$0x2], $0x1, s13, s14, $0xb8;
	[tilespmem:$0x7530] =	vst v63  }
0x25: {  	_ =	swait.ge [sflag:s12], $0x640  }
0x26: {  	s18 =	simm.s32 $0xD0;
	s19 =	simm.s32 $0x1A0;
	[sflag:s12] =	ssyncset.done $0x0  }
.LBB2_2:
0x27: {  	s20 =	sadd.s32 s18, s9  }
0x28: {  	[sflag:s12] =	ssyncadd.s32 $0xFFFFF9C0;
	s21 =	smov.u32 s19;
	s22 =	sadd.s32 $0xD0, s19  }
0x29: {  	[tilespmem:s3], [sflag:$0x2] =	stream.linear.gather [hbm4b:s20+s3], $0x680, $0x38;
	[tilespmem:$0x7530] =	vst v63  }
0x2a: {  	p1 =	sne.s32 s19, $0x64C0;
	_ =	swait.ge [sflag:s12], $0x680  }
0x2b: {  	[sflag:s12] =	ssyncset.done $0x0  }
0x2c: {  	s19 =	sadd.s32 s18, s8;
	s18 =	smov.u32 s21;
	[sflag:s12] =	ssyncadd.s32 $0xFFFFF980  }
0x2d: {  	[tilespmem:s13], [sflag:$0x2] =	stream.linear.gather [hbm4b:s19+s3], $0x680, $0x38;
	[tilespmem:$0x7530] =	vst v63  }
0x2e: {  	_ =	swait.ge [sflag:s12], $0x680  }
0x2f: {  	[sflag:s12] =	ssyncset.done $0x0  }
0x30: {  	[sflag:s12] =	ssyncadd.s32 $0xFFFFF980  }
0x31: {  	[tilespmem:s15], [sflag:$0x1] =	stream.indirect.gather [spmem:s2], $0x1, s3, s14, $0xb8;
	[tilespmem:$0x7530] =	vst v63  }
0x32: {  	_ =	swait.ge [sflag:s16], $0x640  }
.Ltmp0:
0x33: {  	[sflag:s16] =	ssyncset.done $0x0;
	(pc) =	sbr.rel @p1 .LBB2_2-.Ltmp0, $4  }
0x34: {  	[sflag:s16] =	ssyncadd.s32 $0xFFFFF9C0  }
0x35: {  	[spmem:s1] =	stream.indirect.scatter.add.f32 [tilespmem:s15], [sflag:$0x2], $0x1, s13, s14, $0xb8;
	[tilespmem:$0x7530] =	vst v63  }
0x36: {  	_ =	swait.ge [sflag:s12], $0x640  }
0x37: {  	s19 =	smov.u32 s22;
	[sflag:s12] =	ssyncset.done $0x0  }
0x38: {  	s19 =	sadd.s32 s18, s9;
	[sflag:s12] =	ssyncadd.s32 $0xFFFFF9C0  }
0x39: {  	[tilespmem:s3], [sflag:$0x2] =	stream.linear.gather [hbm4b:s19+s3], $0x680, $0x38;
	[tilespmem:$0x7530] =	vst v63  }
0x3a: {  	_ =	swait.ge [sflag:s12], $0x680  }
0x3b: {  	[sflag:s12] =	ssyncset.done $0x0  }
0x3c: {  	s31 =	sadd.s32 s18, s8;
	[sflag:s12] =	ssyncadd.s32 $0xFFFFF980  }
0x3d: {  	[tilespmem:s13], [sflag:$0x2] =	stream.linear.gather [hbm4b:s31+s3], $0x680, $0x38;
	[tilespmem:$0x7530] =	vst v63  }
0x3e: {  	_ =	swait.ge [sflag:s12], $0x680  }
0x3f: {  	[sflag:s12] =	ssyncset.done $0x0  }
0x40: {  	[sflag:s12] =	ssyncadd.s32 $0xFFFFF980  }
0x41: {  	[tilespmem:s15], [sflag:$0x1] =	stream.indirect.gather [spmem:s2], $0x1, s3, s14, $0xb8;
	[tilespmem:$0x7530] =	vst v63  }
0x42: {  	_ =	swait.ge [sflag:s16], $0x640  }
0x43: {  	[sflag:s16] =	ssyncset.done $0x0  }
0x44: {  	[sflag:s16] =	ssyncadd.s32 $0xFFFFF9C0  }
0x45: {  	[spmem:s1] =	stream.indirect.scatter.add.f32 [tilespmem:s15], [sflag:$0x2], $0x1, s13, s14, $0xb8;
	[tilespmem:$0x7530] =	vst v63  }
0x46: {  	_ =	swait.ge [sflag:s12], $0x640  }
0x47: {  	s18 =	simm.s32 @!p0 $0x1;
	s20 =	simm.s32 @!p0 $0x10;
	[sflag:s12] =	ssyncset.done $0x0  }
0x48: {  	s21 =	simm.s32 @!p0 $0x1C02;
	s17 =	sadd.s32 $0x1, s17;
	[sflag:s12] =	ssyncadd.s32 $0xFFFFF9C0  }
0x49: {  	s19 =	simm.s32 @!p0 $0x20;
	p1 =	sne.s32 s17, s7;
	[bflag:$0x0] =	sbarrier.arrive $0xFFFF  }
0x4a: {  	[hbm:s6@s19], [sflag:s21] =	dma.strided @!p0 [spmem:s10@s20], $0x61B0, s18, $0x10   }
.Ltmp1:
0x4b: {  	_ = 	snop;
	(pc) =	sbr.rel @p1 .LBB2_1-.Ltmp1, $4  }
0x4c: {  	s18 =	simm.s32 @!p0 $0x2  }
0x4d: {  	_ =	swait.ge @!p0 [sflag:s18], $0x61B0  }
0x4e: {  	[sflag:s18] =	ssyncset.done @!p0 $0x0  }
0x4f: {  	[sflag:s18] =	ssyncadd.s32 @!p0 $0xFFFF9E50  }
0x50: {  	_ =	sfence.sel $0x180000  }
0x51: {  	[bflag:$0x0] =	sbarrier.arrive $0xFFFF  }
0x52: {  	_ =	strace $0x9000004A  }
0x53: {  	s0 =	sadd.s32 @!p0 $0x100000, s0;
	[bflag:$0x2] =	sbarrier.arrive $0xFFFF  }
0x54: {  	[sflag:s0] =	ssyncadd.tile.s32 @!p0 $0x1;
	_ =	shalt  }
.Lfunc_end2:
_tile_overlayer_lowered:
.L_overlay_start_2:
0x55: {  	(tag) =	ssettag $0x2  }
0x56: {  	s0 =	rddreg [dreg:$0x0];
	s2 =	stileid.u32  }
0x57: {  	s1 =	rddreg [dreg:$0x1];
	p0 =	sne.s32 s2, $0x0  }
0x58: {  	s3 =	rddreg [dreg:$0x2];
	[bflag:$0x3] =	sbarrier.arrive $0xFFFF;
	s2 =	simm.s32 @!p0 $0x1C02  }
0x59: {  	[timem:s3], [sflag:s2] =	dma.local @!p0 [hbm:s0], s1  }
0x5a: {  	s0 =	simm.s32 @!p0 $0x2  }
0x5b: {  	_ =	swait.ge @!p0 [sflag:s0], s1  }
0x5c: {  	s1 =	ssub.s32 @!p0 $0x0, s1;
	[sflag:s0] =	ssyncset.done @!p0 $0x0  }
0x5d: {  	[sflag:s0] =	ssyncadd.s32 @!p0 s1  }
0x5e: {  	[bflag:$0x3] =	sbarrier.arrive $0xFFFF  }
0x5f: {  	_ =	shalt  }

// kernel: kernel.15.cloned.1.call-start
scs
__scs_entry_jumppad:
0x0: {  	(pc) =	sbr.rel $0x88, $3  }
0x1: {  	(tag) =	ssettag $0x0;
	lr =	simm.s32 $0x1  }
0x2: {  	[smem:$0x3F9B] =	sst lr;
	_ =	strace $0xD0000000  }
0x3: {  	_ = 	snop  }
0x4: {  	_ = 	snop  }
0x5: {  	_ = 	snop  }
0x6: {  	_ = 	snop  }
0x7: {  	_ = 	snop  }
__scs_overlays_trampoline_lowered:
0x8: {  	[smem:$0x3FAA] =	sst s0  }
0x9: {  	[smem:$0x3FAB] =	sst s1  }
0xa: {  	[smem:$0x3FAC] =	sst s2  }
0xb: {  	[smem:$0x3FAD] =	sst s3  }
0xc: {  	[smem:$0x3FAE] =	sst s4  }
0xd: {  	[smem:$0x3FAF] =	sst s5  }
0xe: {  	[smem:$0x3FB0] =	sst s6  }
0xf: {  	[smem:$0x3FB1] =	sst s7  }
0x10: {  	[smem:$0x3FB2] =	sst s8  }
0x11: {  	[smem:$0x3FB3] =	sst s9;
	s0 =	simm.s32 @!p0 $0x0  }
0x12: {  	s1 =	sld [smem:$0x3F99];
	s0 =	simm.s32 @p0 $0x1  }
0x13: {  	[smem:$0x3FB4] =	sst s0;
	s0 =	simm.s32 @!p1 $0x0  }
0x14: {  	s2 =	sld [smem:$0x3F98];
	s0 =	simm.s32 @p1 $0x1  }
0x15: {  	[smem:$0x3FB5] =	sst s0;
	s0 =	simm.s32 @!p2 $0x0  }
0x16: {  	s3 =	sld [smem:$0x3FDB];
	s0 =	simm.s32 @p2 $0x1  }
0x17: {  	s4 =	simm.s32 $0x1BF5;
	[smem:$0x3FB7] =	sst s0  }
0x18: {  	s0 =	sld [smem:$0x3F9A];
	_ =	swait.ge [sflag:s4], $0x0  }
0x19: {  	s7 =	sld [smem:$0x3F9B]  }
0x1a: {  	s8 =	sadd.s32 $0xFFFFE003, lr  }
0x1b: {  	s9 =	sadd.s32 $0xFFFFFEF7, lr;
	s5 =	simm.s32 $0xFFFFFFFF;
	p2 =	slt.u32 s8, $0xFFFFF086  }
0x1c: {  	p1 =	slt.u32 s9, $0xF7A;
	s5 =	simm.s32 @!p2 $0x0  }
0x1d: {  	s5 =	simm.s32 @p1 $0x1;
	p0 =	seq.s32 s7, s2  }
0x1e: {  	s7 =	smul.u32 @!p0 $0xF7A, s2;
	p2 =	seq.s32 @!p0 s5, $0x0  }
0x1f: {  	s9 =	smul.u32 $0xF7A, s1;
	s8 =	simm.s32 @!p0 $0x1BF5;
	p2 =	por !p2, p0  }
0x20: {  	[sflag:s8] =	ssyncset.s32 @!p0 $0xFFFFF086;
	s6 =	sadd.s32 @!p0 s3, s7;
	s7 =	simm.s32 @!p0 $0x108  }
0x21: {  	s3 =	sadd.s32 s3, s9;
	s6 =	sadd.s32 @!p0 $0x88, s6;
	s7 =	simm.s32 @p2 $0x1082  }
0x22: {  	[simem:s7], [sflag:s8] =	dma.local @!p0 [hbm:s6], $0xF7A  }
0x23: {  	s9 =	sor.u32 $0xD0000000, s2;
	s6 =	simm.s32 $0x108;
	_ =	swait.ge @!p0 [sflag:s8], $0x0  }
0x24: {  	s3 =	sadd.s32 $0x88, s3;
	s6 =	simm.s32 @!p1 $0x1082;
	[sflag:s4] =	ssyncset.s32 $0xFFFFF086  }
0x25: {  	[simem:s6], [sflag:s4] =	dma.local [hbm:s3], $0xF7A  }
0x26: {  	[smem:$0x3F9B] =	sst s1;
	(tag) =	ssettag s2;
	_ =	strace s9  }
0x27: {  	s1 =	sld [smem:$0x3FAB]  }
0x28: {  	s2 =	sld [smem:$0x3FAC]  }
0x29: {  	s4 =	sld [smem:$0x3FAE]  }
0x2a: {  	p0 =	seq.s32 s5, $0x0;
	s5 =	sld [smem:$0x3FAF]  }
0x2b: {  	s6 =	sld [smem:$0x3FB0]  }
0x2c: {  	s7 =	sld [smem:$0x3FB1]  }
0x2d: {  	s3 =	simm.s32 $0x108;
	s8 =	sld [smem:$0x3FB2]  }
0x2e: {  	s3 =	simm.s32 @!p0 $0x1082;
	s9 =	sld [smem:$0x3FB3]  }
0x2f: {  	lr =	sadd.s32 s0, s3;
	s0 =	sld [smem:$0x3FAA]  }
0x30: {  	s3 =	sld [smem:$0x3FAD]  }
0x31: {  	[smem:$0x3FB6] =	sst s10  }
0x32: {  	s10 =	sld [smem:$0x3FB4];
	_ =	sdelay $0x3  }
0x33: {  	p0 =	seq.s32 s10, $0x1;
	s10 =	sld [smem:$0x3FB6];
	_ =	sdelay $0x3  }
0x34: {  	[smem:$0x3FB6] =	sst s10  }
0x35: {  	s10 =	sld [smem:$0x3FB5];
	_ =	sdelay $0x3  }
0x36: {  	p1 =	seq.s32 s10, $0x1;
	s10 =	sld [smem:$0x3FB6];
	_ =	sdelay $0x3  }
0x37: {  	[smem:$0x3FB6] =	sst s10  }
0x38: {  	s10 =	sld [smem:$0x3FB7]  }
0x39: {  	_ = 	snop;
	(pc) =	sbr.ind lr, $3  }
0x3a: {  	_ = 	snop  }
0x3b: {  	_ = 	snop  }
0x3c: {  	p2 =	seq.s32 s10, $0x1;
	s10 =	sld [smem:$0x3FB6]  }
0x3d: {  	_ =	shalt  }
0x3e: {  	_ =	shalt  }
0x3f: {  	_ =	shalt  }
0x40: {  	_ =	shalt  }
0x41: {  	_ =	shalt  }
0x42: {  	_ =	shalt  }
0x43: {  	_ =	shalt  }
0x44: {  	_ =	shalt  }
0x45: {  	_ =	shalt  }
0x46: {  	_ =	shalt  }
0x47: {  	_ =	shalt  }
0x48: {  	_ =	shalt  }
0x49: {  	_ =	shalt  }
0x4a: {  	_ =	shalt  }
0x4b: {  	_ =	shalt  }
0x4c: {  	_ =	shalt  }
0x4d: {  	_ =	shalt  }
0x4e: {  	_ =	shalt  }
0x4f: {  	_ =	shalt  }
0x50: {  	_ =	shalt  }
0x51: {  	_ =	shalt  }
0x52: {  	_ =	shalt  }
0x53: {  	_ =	shalt  }
0x54: {  	_ =	shalt  }
0x55: {  	_ =	shalt  }
0x56: {  	_ =	shalt  }
0x57: {  	_ =	shalt  }
0x58: {  	_ =	shalt  }
0x59: {  	_ =	shalt  }
0x5a: {  	_ =	shalt  }
0x5b: {  	_ =	shalt  }
0x5c: {  	_ =	shalt  }
0x5d: {  	_ =	shalt  }
0x5e: {  	_ =	shalt  }
0x5f: {  	_ =	shalt  }
0x60: {  	_ =	shalt  }
0x61: {  	_ =	shalt  }
0x62: {  	_ =	shalt  }
0x63: {  	_ =	shalt  }
0x64: {  	_ =	shalt  }
0x65: {  	_ =	shalt  }
0x66: {  	_ =	shalt  }
0x67: {  	_ =	shalt  }
0x68: {  	_ =	shalt  }
0x69: {  	_ =	shalt  }
0x6a: {  	_ =	shalt  }
0x6b: {  	_ =	shalt  }
0x6c: {  	_ =	shalt  }
0x6d: {  	_ =	shalt  }
0x6e: {  	_ =	shalt  }
0x6f: {  	_ =	shalt  }
0x70: {  	_ =	shalt  }
0x71: {  	_ =	shalt  }
0x72: {  	_ =	shalt  }
0x73: {  	_ =	shalt  }
0x74: {  	_ =	shalt  }
0x75: {  	_ =	shalt  }
0x76: {  	_ =	shalt  }
0x77: {  	_ =	shalt  }
0x78: {  	_ =	shalt  }
0x79: {  	_ =	shalt  }
0x7a: {  	_ =	shalt  }
0x7b: {  	_ =	shalt  }
0x7c: {  	_ =	shalt  }
0x7d: {  	_ =	shalt  }
0x7e: {  	_ =	shalt  }
0x7f: {  	_ =	shalt  }
0x80: {  	_ =	shalt  }
0x81: {  	_ =	shalt  }
0x82: {  	_ =	shalt  }
0x83: {  	_ =	shalt  }
0x84: {  	_ =	shalt  }
0x85: {  	_ =	shalt  }
0x86: {  	_ =	shalt  }
0x87: {  	_ =	shalt  }
.Lfunc_end0:
.L_simem_size_0:
called_computation.2_lowered:
.L_overlay_start_0:
0x88: {  	s2 =	sld [smem:$0x3FD9]  }
0x89: {  	s3 =	sld [smem:$0x3FFE];
	_ =	sdelay $0x1  }
0x8a: {  	s1 =	srdreg.scid  }
0x8b: {  	s0 =	sand.u32 $0x1, s1  }
0x8c: {  	s17 =	sshll.u32 s0, $0xA;
	s2 =	sadd.s32 s3, s2  }
0x8d: {  	s2 =	sadd.s32 s2, s17  }
0x8e: {  	[smem:$0x3FC2] =	sst s2  }
0x8f: {  	_ = 	snop  }
0x90: {  	s2 =	sld [smem:$0x3FD0];
	(tm) =	ssettm $0x1  }
0x91: {  	s18 =	sld [smem:$0x3FFB];
	_ =	sdelay $0x3  }
0x92: {  	_ =	strace s18  }
0x93: {  	s3 =	sld [smem:$0x3FFC];
	_ =	sdelay $0x3  }
0x94: {  	_ =	strace s3  }
0x95: {  	s3 =	sld [smem:$0x3FFD];
	_ =	sdelay $0x3  }
0x96: {  	_ =	strace s3  }
0x97: {  	_ =	strace $0x8FFFFFFF  }
0x98: {  	s19 =	sld [smem:$0x3FDB];
	_ =	sdelay $0x1  }
0x99: {  	s4 =	simm.s32 $_scs_section_size  }
0x9a: {  	s5 =	simm.s32 $_size__tile_overlayer_lowered;
	s6 =	simm.s32 $_tile_overlayer_lowered  }
0x9b: {  	s22 =	simm.s32 $0x1BFF;
	s21 =	sshll.u32 s6, $0x1;
	s3 =	sadd.s32 s4, s19  }
0x9c: {  	s7 =	simm.s32 $0x0;
	s20 =	sshll.u32 s5, $0x1;
	s5 =	sadd.s32 s21, s3  }
0x9d: {  	[timem:s7], [sflag:s22] =	dma.local [hbm:s5], s20  }
0x9e: {  	_ =	swait.ge [sflag:s22], s20  }
0x9f: {  	s4 =	ssub.s32 $0x0, s20;
	[sflag:s22] =	ssyncset.done $0x0  }
0xa0: {  	[sflag:s22] =	ssyncadd.s32 s4;
	_ =	sdelay $0x1  }
0xa1: {  	s23 =	simm.s32 $0x1B8B  }
0xa2: {  	_ =	swait.ge [sflag:s23], $0x1  }
0xa3: {  	[sflag:s23] =	ssyncset.done $0x0  }
0xa4: {  	s25 =	simm.s32 $0x1B8E;
	s24 =	sld [smem:$0x3FFE];
	[sflag:s23] =	ssyncadd.s32 $0xFFFFFFFF  }
0xa5: {  	s26 =	simm.s32 $execute0_lowered;
	[smem:$0x3FD2] =	sst s25  }
0xa6: {  	s5 =	sshll.u32 s26, $0x1;
	_ =	strace $0x8000004C;
	[dreg:$0x1] =	wrdreg $0xFFFFFFFF  }
0xa7: {  	s28 =	simm.s32 $_size_execute0_lowered;
	s3 =	sadd.s32 s3, s5;
	[dreg:$0x0] =	wrdreg $0x0  }
0xa8: {  	s5 =	sshll.u32 s28, $0x1;
	[dreg:$0x2] =	wrdreg s3  }
0xa9: {  	[dreg:$0x3] =	wrdreg s5  }
0xaa: {  	[dreg:$0x4] =	wrdreg $0xC0  }
0xab: {  	_ =	task [dreg:s7], $0x5FFFF  }
0xac: {  	[dreg:$0x1] =	wrdreg $0xFFFFFFFF  }
0xad: {  	[dreg:$0x0] =	wrdreg $0x60  }
0xae: {  	[dreg:$0x2] =	wrdreg s24  }
0xaf: {  	[dreg:$0x3] =	wrdreg s2  }
0xb0: {  	[dreg:$0x4] =	wrdreg $0x22F00  }
0xb1: {  	[dreg:$0x5] =	wrdreg $0xA800  }
0xb2: {  	[dreg:$0x6] =	wrdreg $0x9  }
0xb3: {  	_ =	task.clear_ibuf [dreg:s7], $0x7FFFF;
	_ =	strace $0x9000004C  }
0xb4: {  	s29 =	simm.s32 $0x9;
	_ =	strace $0x8000004E  }
0xb5: {  	_ =	swait.ge [sflag:s29], $0x1  }
0xb6: {  	[sflag:s29] =	ssyncadd.s32 $0xFFFFFFFF  }
0xb7: {  	_ =	strace $0x9000004E  }
0xb8: {  	_ =	sfence  }
0xb9: {  	s30 =	sld [smem:$0x0];
	_ =	sdelay $0x2  }
0xba: {  	s31 =	sshll.u32 s1, $0xD;
	s1 =	sshrl.u32 s1, $0x2  }
0xbb: {  	s3 =	sand.u32 $0x4000, s31;
	s1 =	sadd.s32 s1, s30  }
0xbc: {  	s0 =	sor.u32 s3, s0;
	s1 =	sshll.u32 s1, $0x11  }
0xbd: {  	s0 =	sor.u32 s1, s0  }
0xbe: {  	s0 =	sadd.s32 $0x8F2B, s0  }
0xbf: {  	[sflag:s0] =	ssyncadd.remote.s32 $0x1  }
0xc0: {  	_ =	sfence.sel $0xFFFF  }
0xc1: {  	[dreg:$0x0] =	wrdreg $0xFFFFFFFF;
	(pc) =	sbr.abs _section_cstart, $3  }
0xc2: {  	[dreg:$0x1] =	wrdreg $0xFFFFFFFF  }
0xc3: {  	_ =	task.clear_ibuf [dreg:s7], $0x2FFFF;
	_ =	strace $0x9FFFFFFF  }
0xc4: {  	(tm) =	ssettm $0x7FFFFFFF  }
0xc5: {  	_ =	shalt  }
tec
execute0_lowered:
.L_overlay_start_1:
0x0: {  	(tag) =	ssettag $0x1  }
0x1: {  	s5 =	rddreg [dreg:$0x0]  }
0x2: {  	s0 =	rddreg [dreg:$0x1]  }
0x3: {  	s1 =	rddreg [dreg:$0x2]  }
0x4: {  	s2 =	srdreg.scid;
	s9 =	stileid.u32  }
0x5: {  	s3 =	rddreg [dreg:$0x3];
	s4 =	simm.s32 $0x0;
	s12 =	simm.s32 $0x2  }
0x6: {  	s13 =	simm.s32 $0x380;
	s14 =	simm.s32 $0x320;
	s15 =	simm.s32 $0x700  }
0x7: {  	s16 =	simm.s32 $0x1;
	s6 =	sand.u32 $0x1, s2;
	s2 =	rddreg [dreg:$0x4]  }
0x8: {  	s17 =	simm.s32 $0x0;
	s7 =	smul.u32 $0x36B00, s9;
	[smem:$0x7FF] =	sst s4  }
0x9: {  	p0 =	sne.s32 s9, $0x0;
	s8 =	smul.u32 $0x1B580, s6;
	_ =	strace $0x8000004D  }
0xa: {  	s29 =	sshll.u32 s6, $0x4;
	s6 =	ssub.s32 $0x2, s6;
	s11 =	sshrl.u32 @!p0 s3, $0x3  }
0xb: {  	s30 =	sadd.s32 s29, s5;
	s31 =	sshrl.u32 s6, $0x1;
	s7 =	sadd.s32 s8, s7  }
0xc: {  	s8 =	ssub.s32 s6, s31;
	s6 =	sadd.s32 $0x4E00, s30;
	s7 =	sshrl.u32 s7, $0x3  }
0xd: {  	s10 =	sadd.s32 s7, s5;
	s5 =	sadd.s32 $0x1C00, s5;
	s7 =	smax.u32 s8, $0x1  }
0xe: {  	s8 =	sadd.s32 $0x222800, s10;
	s9 =	sadd.s32 $0x28FE00, s10;
	s10 =	sshrl.u32 @!p0 s1, $0x3  }
.LBB2_1:
0xf: {  	s18 =	simm.s32 @!p0 $0x1C02;
	s19 =	simm.s32 @!p0 $0x2  }
0x10: {  	[spmem:s10], [sflag:s18] =	dma.local @!p0 [hbm:s5], $0x30E0  }
0x11: {  	_ =	swait.ge @!p0 [sflag:s19], $0x30E0  }
0x12: {  	[sflag:s19] =	ssyncset.done @!p0 $0x0  }
0x13: {  	[sflag:s19] =	ssyncadd.s32 @!p0 $0xFFFFCF20  }
0x14: {  	[spmem:s11], [sflag:s18] =	dma.local @!p0 [hbm:s0], $0x30E0  }
0x15: {  	_ =	swait.ge @!p0 [sflag:s19], $0x30E0  }
0x16: {  	[sflag:s19] =	ssyncset.done @!p0 $0x0  }
0x17: {  	[sflag:s19] =	ssyncadd.s32 @!p0 $0xFFFFCF20  }
0x18: {  	s30 =	sadd.s32 $0x0, s9;
	[bflag:$0x0] =	sbarrier.arrive $0xFFFF  }
0x19: {  	[tilespmem:s4], [sflag:$0x2] =	stream.linear.gather [hbm4b:s30+s4], $0x380, $0x38;
	[tilespmem:$0x3B60] =	vst v63  }
0x1a: {  	_ =	swait.ge [sflag:s12], $0x380  }
0x1b: {  	[sflag:s12] =	ssyncset.done $0x0  }
0x1c: {  	s31 =	sadd.s32 $0x0, s8;
	[sflag:s12] =	ssyncadd.s32 $0xFFFFFC80  }
0x1d: {  	[tilespmem:s13], [sflag:$0x2] =	stream.linear.gather [hbm4b:s31+s4], $0x380, $0x38;
	[tilespmem:$0x3B60] =	vst v63  }
0x1e: {  	_ =	swait.ge [sflag:s12], $0x380  }
0x1f: {  	[sflag:s12] =	ssyncset.done $0x0  }
0x20: {  	[sflag:s12] =	ssyncadd.s32 $0xFFFFFC80  }
0x21: {  	[tilespmem:s15], [sflag:$0x1] =	stream.indirect.gather [spmem:s3], $0x1, s4, s14, $0xb8;
	[tilespmem:$0x3B60] =	vst v63  }
0x22: {  	_ =	swait.ge [sflag:s16], $0x320  }
0x23: {  	[sflag:s16] =	ssyncset.done $0x0  }
0x24: {  	[sflag:s16] =	ssyncadd.s32 $0xFFFFFCE0  }
0x25: {  	[spmem:s1] =	stream.indirect.scatter.add.f32 [tilespmem:s15], [sflag:$0x2], $0x1, s13, s14, $0xb8;
	[tilespmem:$0x3B60] =	vst v63  }
0x26: {  	_ =	swait.ge [sflag:s12], $0x320  }
0x27: {  	s18 =	simm.s32 $0x70;
	s19 =	simm.s32 $0xE0;
	[sflag:s12] =	ssyncset.done $0x0  }
.LBB2_2:
0x28: {  	s20 =	sadd.s32 s18, s9  }
0x29: {  	[sflag:s12] =	ssyncadd.s32 $0xFFFFFCE0;
	s21 =	smov.u32 s19;
	s22 =	sadd.s32 $0x70, s19  }
0x2a: {  	[tilespmem:s4], [sflag:$0x2] =	stream.linear.gather [hbm4b:s20+s4], $0x380, $0x38;
	[tilespmem:$0x3B60] =	vst v63  }
0x2b: {  	p1 =	sne.s32 s19, $0x3640;
	_ =	swait.ge [sflag:s12], $0x380  }
0x2c: {  	[sflag:s12] =	ssyncset.done $0x0  }
0x2d: {  	s19 =	sadd.s32 s18, s8;
	s18 =	smov.u32 s21;
	[sflag:s12] =	ssyncadd.s32 $0xFFFFFC80  }
0x2e: {  	[tilespmem:s13], [sflag:$0x2] =	stream.linear.gather [hbm4b:s19+s4], $0x380, $0x38;
	[tilespmem:$0x3B60] =	vst v63  }
0x2f: {  	_ =	swait.ge [sflag:s12], $0x380  }
0x30: {  	[sflag:s12] =	ssyncset.done $0x0  }
0x31: {  	[sflag:s12] =	ssyncadd.s32 $0xFFFFFC80  }
0x32: {  	[tilespmem:s15], [sflag:$0x1] =	stream.indirect.gather [spmem:s3], $0x1, s4, s14, $0xb8;
	[tilespmem:$0x3B60] =	vst v63  }
0x33: {  	_ =	swait.ge [sflag:s16], $0x320  }
.Ltmp0:
0x34: {  	[sflag:s16] =	ssyncset.done $0x0;
	(pc) =	sbr.rel @p1 .LBB2_2-.Ltmp0, $4  }
0x35: {  	[sflag:s16] =	ssyncadd.s32 $0xFFFFFCE0  }
0x36: {  	[spmem:s1] =	stream.indirect.scatter.add.f32 [tilespmem:s15], [sflag:$0x2], $0x1, s13, s14, $0xb8;
	[tilespmem:$0x3B60] =	vst v63  }
0x37: {  	_ =	swait.ge [sflag:s12], $0x320  }
0x38: {  	s19 =	smov.u32 s22;
	[sflag:s12] =	ssyncset.done $0x0  }
0x39: {  	s19 =	sadd.s32 s18, s9;
	[sflag:s12] =	ssyncadd.s32 $0xFFFFFCE0  }
0x3a: {  	[tilespmem:s4], [sflag:$0x2] =	stream.linear.gather [hbm4b:s19+s4], $0x380, $0x38;
	[tilespmem:$0x3B60] =	vst v63  }
0x3b: {  	_ =	swait.ge [sflag:s12], $0x380  }
0x3c: {  	[sflag:s12] =	ssyncset.done $0x0  }
0x3d: {  	s31 =	sadd.s32 s18, s8;
	[sflag:s12] =	ssyncadd.s32 $0xFFFFFC80  }
0x3e: {  	[tilespmem:s13], [sflag:$0x2] =	stream.linear.gather [hbm4b:s31+s4], $0x380, $0x38;
	[tilespmem:$0x3B60] =	vst v63  }
0x3f: {  	_ =	swait.ge [sflag:s12], $0x380  }
0x40: {  	[sflag:s12] =	ssyncset.done $0x0  }
0x41: {  	[sflag:s12] =	ssyncadd.s32 $0xFFFFFC80  }
0x42: {  	[tilespmem:s15], [sflag:$0x1] =	stream.indirect.gather [spmem:s3], $0x1, s4, s14, $0xb8;
	[tilespmem:$0x3B60] =	vst v63  }
0x43: {  	_ =	swait.ge [sflag:s16], $0x320  }
0x44: {  	[sflag:s16] =	ssyncset.done $0x0  }
0x45: {  	[sflag:s16] =	ssyncadd.s32 $0xFFFFFCE0  }
0x46: {  	[spmem:s1] =	stream.indirect.scatter.add.f32 [tilespmem:s15], [sflag:$0x2], $0x1, s13, s14, $0xb8;
	[tilespmem:$0x3B60] =	vst v63  }
0x47: {  	_ =	swait.ge [sflag:s12], $0x320  }
0x48: {  	s18 =	simm.s32 @!p0 $0x1;
	s20 =	simm.s32 @!p0 $0x10;
	[sflag:s12] =	ssyncset.done $0x0  }
0x49: {  	s21 =	simm.s32 @!p0 $0x1C02;
	s17 =	sadd.s32 $0x1, s17;
	[sflag:s12] =	ssyncadd.s32 $0xFFFFFCE0  }
0x4a: {  	s19 =	simm.s32 @!p0 $0x20;
	p1 =	sne.s32 s17, s7;
	[bflag:$0x0] =	sbarrier.arrive $0xFFFF  }
0x4b: {  	[hbm:s6@s19], [sflag:s21] =	dma.strided @!p0 [spmem:s10@s20], $0x30E0, s18, $0x10   }
.Ltmp1:
0x4c: {  	_ = 	snop;
	(pc) =	sbr.rel @p1 .LBB2_1-.Ltmp1, $4  }
0x4d: {  	s18 =	simm.s32 @!p0 $0x2  }
0x4e: {  	_ =	swait.ge @!p0 [sflag:s18], $0x30E0  }
0x4f: {  	[sflag:s18] =	ssyncset.done @!p0 $0x0  }
0x50: {  	[sflag:s18] =	ssyncadd.s32 @!p0 $0xFFFFCF20  }
0x51: {  	_ =	sfence.sel $0x180000  }
0x52: {  	[bflag:$0x0] =	sbarrier.arrive $0xFFFF  }
0x53: {  	_ =	strace $0x9000004D  }
0x54: {  	s0 =	sadd.s32 @!p0 $0x100000, s2;
	[bflag:$0x2] =	sbarrier.arrive $0xFFFF  }
0x55: {  	[sflag:s0] =	ssyncadd.tile.s32 @!p0 $0x1;
	_ =	shalt  }
.Lfunc_end2:
_tile_overlayer_lowered:
.L_overlay_start_2:
0x56: {  	(tag) =	ssettag $0x2  }
0x57: {  	s0 =	rddreg [dreg:$0x0];
	s2 =	stileid.u32  }
0x58: {  	s1 =	rddreg [dreg:$0x1];
	p0 =	sne.s32 s2, $0x0  }
0x59: {  	s3 =	rddreg [dreg:$0x2];
	[bflag:$0x3] =	sbarrier.arrive $0xFFFF;
	s2 =	simm.s32 @!p0 $0x1C02  }
0x5a: {  	[timem:s3], [sflag:s2] =	dma.local @!p0 [hbm:s0], s1  }
0x5b: {  	s0 =	simm.s32 @!p0 $0x2  }
0x5c: {  	_ =	swait.ge @!p0 [sflag:s0], s1  }
0x5d: {  	s1 =	ssub.s32 @!p0 $0x0, s1;
	[sflag:s0] =	ssyncset.done @!p0 $0x0  }
0x5e: {  	[sflag:s0] =	ssyncadd.s32 @!p0 s1  }
0x5f: {  	[bflag:$0x3] =	sbarrier.arrive $0xFFFF  }
0x60: {  	_ =	shalt  }

// kernel: kernel.9.cloned.1.call-start
scs
__scs_entry_jumppad:
0x0: {  	(pc) =	sbr.rel $0x88, $3  }
0x1: {  	(tag) =	ssettag $0x0;
	lr =	simm.s32 $0x1  }
0x2: {  	[smem:$0x3F9B] =	sst lr;
	_ =	strace $0xD0000000  }
0x3: {  	_ = 	snop  }
0x4: {  	_ = 	snop  }
0x5: {  	_ = 	snop  }
0x6: {  	_ = 	snop  }
0x7: {  	_ = 	snop  }
__scs_overlays_trampoline_lowered:
0x8: {  	[smem:$0x3FAA] =	sst s0  }
0x9: {  	[smem:$0x3FAB] =	sst s1  }
0xa: {  	[smem:$0x3FAC] =	sst s2  }
0xb: {  	[smem:$0x3FAD] =	sst s3  }
0xc: {  	[smem:$0x3FAE] =	sst s4  }
0xd: {  	[smem:$0x3FAF] =	sst s5  }
0xe: {  	[smem:$0x3FB0] =	sst s6  }
0xf: {  	[smem:$0x3FB1] =	sst s7  }
0x10: {  	[smem:$0x3FB2] =	sst s8  }
0x11: {  	[smem:$0x3FB3] =	sst s9;
	s0 =	simm.s32 @!p0 $0x0  }
0x12: {  	s1 =	sld [smem:$0x3F99];
	s0 =	simm.s32 @p0 $0x1  }
0x13: {  	[smem:$0x3FB4] =	sst s0;
	s0 =	simm.s32 @!p1 $0x0  }
0x14: {  	s2 =	sld [smem:$0x3F98];
	s0 =	simm.s32 @p1 $0x1  }
0x15: {  	[smem:$0x3FB5] =	sst s0;
	s0 =	simm.s32 @!p2 $0x0  }
0x16: {  	s3 =	sld [smem:$0x3FDB];
	s0 =	simm.s32 @p2 $0x1  }
0x17: {  	s4 =	simm.s32 $0x1BF5;
	[smem:$0x3FB7] =	sst s0  }
0x18: {  	s0 =	sld [smem:$0x3F9A];
	_ =	swait.ge [sflag:s4], $0x0  }
0x19: {  	s7 =	sld [smem:$0x3F9B]  }
0x1a: {  	s8 =	sadd.s32 $0xFFFFE003, lr  }
0x1b: {  	s9 =	sadd.s32 $0xFFFFFEF7, lr;
	s5 =	simm.s32 $0xFFFFFFFF;
	p2 =	slt.u32 s8, $0xFFFFF086  }
0x1c: {  	p1 =	slt.u32 s9, $0xF7A;
	s5 =	simm.s32 @!p2 $0x0  }
0x1d: {  	s5 =	simm.s32 @p1 $0x1;
	p0 =	seq.s32 s7, s2  }
0x1e: {  	s7 =	smul.u32 @!p0 $0xF7A, s2;
	p2 =	seq.s32 @!p0 s5, $0x0  }
0x1f: {  	s9 =	smul.u32 $0xF7A, s1;
	s8 =	simm.s32 @!p0 $0x1BF5;
	p2 =	por !p2, p0  }
0x20: {  	[sflag:s8] =	ssyncset.s32 @!p0 $0xFFFFF086;
	s6 =	sadd.s32 @!p0 s3, s7;
	s7 =	simm.s32 @!p0 $0x108  }
0x21: {  	s3 =	sadd.s32 s3, s9;
	s6 =	sadd.s32 @!p0 $0x88, s6;
	s7 =	simm.s32 @p2 $0x1082  }
0x22: {  	[simem:s7], [sflag:s8] =	dma.local @!p0 [hbm:s6], $0xF7A  }
0x23: {  	s9 =	sor.u32 $0xD0000000, s2;
	s6 =	simm.s32 $0x108;
	_ =	swait.ge @!p0 [sflag:s8], $0x0  }
0x24: {  	s3 =	sadd.s32 $0x88, s3;
	s6 =	simm.s32 @!p1 $0x1082;
	[sflag:s4] =	ssyncset.s32 $0xFFFFF086  }
0x25: {  	[simem:s6], [sflag:s4] =	dma.local [hbm:s3], $0xF7A  }
0x26: {  	[smem:$0x3F9B] =	sst s1;
	(tag) =	ssettag s2;
	_ =	strace s9  }
0x27: {  	s1 =	sld [smem:$0x3FAB]  }
0x28: {  	s2 =	sld [smem:$0x3FAC]  }
0x29: {  	s4 =	sld [smem:$0x3FAE]  }
0x2a: {  	p0 =	seq.s32 s5, $0x0;
	s5 =	sld [smem:$0x3FAF]  }
0x2b: {  	s6 =	sld [smem:$0x3FB0]  }
0x2c: {  	s7 =	sld [smem:$0x3FB1]  }
0x2d: {  	s3 =	simm.s32 $0x108;
	s8 =	sld [smem:$0x3FB2]  }
0x2e: {  	s3 =	simm.s32 @!p0 $0x1082;
	s9 =	sld [smem:$0x3FB3]  }
0x2f: {  	lr =	sadd.s32 s0, s3;
	s0 =	sld [smem:$0x3FAA]  }
0x30: {  	s3 =	sld [smem:$0x3FAD]  }
0x31: {  	[smem:$0x3FB6] =	sst s10  }
0x32: {  	s10 =	sld [smem:$0x3FB4];
	_ =	sdelay $0x3  }
0x33: {  	p0 =	seq.s32 s10, $0x1;
	s10 =	sld [smem:$0x3FB6];
	_ =	sdelay $0x3  }
0x34: {  	[smem:$0x3FB6] =	sst s10  }
0x35: {  	s10 =	sld [smem:$0x3FB5];
	_ =	sdelay $0x3  }
0x36: {  	p1 =	seq.s32 s10, $0x1;
	s10 =	sld [smem:$0x3FB6];
	_ =	sdelay $0x3  }
0x37: {  	[smem:$0x3FB6] =	sst s10  }
0x38: {  	s10 =	sld [smem:$0x3FB7]  }
0x39: {  	_ = 	snop;
	(pc) =	sbr.ind lr, $3  }
0x3a: {  	_ = 	snop  }
0x3b: {  	_ = 	snop  }
0x3c: {  	p2 =	seq.s32 s10, $0x1;
	s10 =	sld [smem:$0x3FB6]  }
0x3d: {  	_ =	shalt  }
0x3e: {  	_ =	shalt  }
0x3f: {  	_ =	shalt  }
0x40: {  	_ =	shalt  }
0x41: {  	_ =	shalt  }
0x42: {  	_ =	shalt  }
0x43: {  	_ =	shalt  }
0x44: {  	_ =	shalt  }
0x45: {  	_ =	shalt  }
0x46: {  	_ =	shalt  }
0x47: {  	_ =	shalt  }
0x48: {  	_ =	shalt  }
0x49: {  	_ =	shalt  }
0x4a: {  	_ =	shalt  }
0x4b: {  	_ =	shalt  }
0x4c: {  	_ =	shalt  }
0x4d: {  	_ =	shalt  }
0x4e: {  	_ =	shalt  }
0x4f: {  	_ =	shalt  }
0x50: {  	_ =	shalt  }
0x51: {  	_ =	shalt  }
0x52: {  	_ =	shalt  }
0x53: {  	_ =	shalt  }
0x54: {  	_ =	shalt  }
0x55: {  	_ =	shalt  }
0x56: {  	_ =	shalt  }
0x57: {  	_ =	shalt  }
0x58: {  	_ =	shalt  }
0x59: {  	_ =	shalt  }
0x5a: {  	_ =	shalt  }
0x5b: {  	_ =	shalt  }
0x5c: {  	_ =	shalt  }
0x5d: {  	_ =	shalt  }
0x5e: {  	_ =	shalt  }
0x5f: {  	_ =	shalt  }
0x60: {  	_ =	shalt  }
0x61: {  	_ =	shalt  }
0x62: {  	_ =	shalt  }
0x63: {  	_ =	shalt  }
0x64: {  	_ =	shalt  }
0x65: {  	_ =	shalt  }
0x66: {  	_ =	shalt  }
0x67: {  	_ =	shalt  }
0x68: {  	_ =	shalt  }
0x69: {  	_ =	shalt  }
0x6a: {  	_ =	shalt  }
0x6b: {  	_ =	shalt  }
0x6c: {  	_ =	shalt  }
0x6d: {  	_ =	shalt  }
0x6e: {  	_ =	shalt  }
0x6f: {  	_ =	shalt  }
0x70: {  	_ =	shalt  }
0x71: {  	_ =	shalt  }
0x72: {  	_ =	shalt  }
0x73: {  	_ =	shalt  }
0x74: {  	_ =	shalt  }
0x75: {  	_ =	shalt  }
0x76: {  	_ =	shalt  }
0x77: {  	_ =	shalt  }
0x78: {  	_ =	shalt  }
0x79: {  	_ =	shalt  }
0x7a: {  	_ =	shalt  }
0x7b: {  	_ =	shalt  }
0x7c: {  	_ =	shalt  }
0x7d: {  	_ =	shalt  }
0x7e: {  	_ =	shalt  }
0x7f: {  	_ =	shalt  }
0x80: {  	_ =	shalt  }
0x81: {  	_ =	shalt  }
0x82: {  	_ =	shalt  }
0x83: {  	_ =	shalt  }
0x84: {  	_ =	shalt  }
0x85: {  	_ =	shalt  }
0x86: {  	_ =	shalt  }
0x87: {  	_ =	shalt  }
.Lfunc_end0:
.L_simem_size_0:
called_computation_lowered:
.L_overlay_start_0:
0x88: {  	s2 =	sld [smem:$0x3FD9]  }
0x89: {  	s3 =	sld [smem:$0x3FFE];
	_ =	sdelay $0x1  }
0x8a: {  	s1 =	srdreg.scid  }
0x8b: {  	s0 =	sand.u32 $0x1, s1  }
0x8c: {  	s17 =	sshll.u32 s0, $0xA;
	s2 =	sadd.s32 s3, s2  }
0x8d: {  	s2 =	sadd.s32 s2, s17  }
0x8e: {  	[smem:$0x3FC2] =	sst s2  }
0x8f: {  	_ = 	snop  }
0x90: {  	s2 =	sld [smem:$0x3FD0];
	(tm) =	ssettm $0x1  }
0x91: {  	s18 =	sld [smem:$0x3FFB];
	_ =	sdelay $0x3  }
0x92: {  	_ =	strace s18  }
0x93: {  	s3 =	sld [smem:$0x3FFC];
	_ =	sdelay $0x3  }
0x94: {  	_ =	strace s3  }
0x95: {  	s3 =	sld [smem:$0x3FFD];
	_ =	sdelay $0x3  }
0x96: {  	_ =	strace s3  }
0x97: {  	_ =	strace $0x8FFFFFFF  }
0x98: {  	s19 =	sld [smem:$0x3FDB];
	_ =	sdelay $0x1  }
0x99: {  	s4 =	simm.s32 $_scs_section_size  }
0x9a: {  	s5 =	simm.s32 $_size__tile_overlayer_lowered;
	s6 =	simm.s32 $_tile_overlayer_lowered  }
0x9b: {  	s22 =	simm.s32 $0x1BFF;
	s21 =	sshll.u32 s6, $0x1;
	s3 =	sadd.s32 s4, s19  }
0x9c: {  	s7 =	simm.s32 $0x0;
	s20 =	sshll.u32 s5, $0x1;
	s5 =	sadd.s32 s21, s3  }
0x9d: {  	[timem:s7], [sflag:s22] =	dma.local [hbm:s5], s20  }
0x9e: {  	_ =	swait.ge [sflag:s22], s20  }
0x9f: {  	s4 =	ssub.s32 $0x0, s20;
	[sflag:s22] =	ssyncset.done $0x0  }
0xa0: {  	[sflag:s22] =	ssyncadd.s32 s4;
	_ =	sdelay $0x1  }
0xa1: {  	s23 =	simm.s32 $0x1B8B  }
0xa2: {  	_ =	swait.ge [sflag:s23], $0x1  }
0xa3: {  	[sflag:s23] =	ssyncset.done $0x0  }
0xa4: {  	s25 =	simm.s32 $0x1B8E;
	s24 =	sld [smem:$0x3FFE];
	[sflag:s23] =	ssyncadd.s32 $0xFFFFFFFF  }
0xa5: {  	s26 =	simm.s32 $execute0_lowered;
	[smem:$0x3FD2] =	sst s25  }
0xa6: {  	s5 =	sshll.u32 s26, $0x1;
	_ =	strace $0x80000046;
	[dreg:$0x1] =	wrdreg $0xFFFFFFFF  }
0xa7: {  	s28 =	simm.s32 $_size_execute0_lowered;
	s3 =	sadd.s32 s3, s5;
	[dreg:$0x0] =	wrdreg $0x0  }
0xa8: {  	s5 =	sshll.u32 s28, $0x1;
	[dreg:$0x2] =	wrdreg s3  }
0xa9: {  	[dreg:$0x3] =	wrdreg s5  }
0xaa: {  	[dreg:$0x4] =	wrdreg $0xC0  }
0xab: {  	_ =	task [dreg:s7], $0x5FFFF  }
0xac: {  	[dreg:$0x1] =	wrdreg $0xFFFFFFFF  }
0xad: {  	[dreg:$0x0] =	wrdreg $0x60  }
0xae: {  	[dreg:$0x2] =	wrdreg s24  }
0xaf: {  	[dreg:$0x3] =	wrdreg s2  }
0xb0: {  	[dreg:$0x4] =	wrdreg $0x40800  }
0xb1: {  	[dreg:$0x5] =	wrdreg $0x9  }
0xb2: {  	_ =	task.clear_ibuf [dreg:s7], $0x6FFFF;
	_ =	strace $0x90000046  }
0xb3: {  	s29 =	simm.s32 $0x9;
	_ =	strace $0x80000048  }
0xb4: {  	_ =	swait.ge [sflag:s29], $0x1  }
0xb5: {  	[sflag:s29] =	ssyncadd.s32 $0xFFFFFFFF  }
0xb6: {  	_ =	strace $0x90000048  }
0xb7: {  	_ =	sfence  }
0xb8: {  	s30 =	sld [smem:$0x0];
	_ =	sdelay $0x2  }
0xb9: {  	s31 =	sshll.u32 s1, $0xD;
	s1 =	sshrl.u32 s1, $0x2  }
0xba: {  	s3 =	sand.u32 $0x4000, s31;
	s1 =	sadd.s32 s1, s30  }
0xbb: {  	s0 =	sor.u32 s3, s0;
	s1 =	sshll.u32 s1, $0x11  }
0xbc: {  	s0 =	sor.u32 s1, s0  }
0xbd: {  	s0 =	sadd.s32 $0x8F2B, s0  }
0xbe: {  	[sflag:s0] =	ssyncadd.remote.s32 $0x1  }
0xbf: {  	_ =	sfence.sel $0xFFFF  }
0xc0: {  	[dreg:$0x0] =	wrdreg $0xFFFFFFFF;
	(pc) =	sbr.abs _section_cstart, $3  }
0xc1: {  	[dreg:$0x1] =	wrdreg $0xFFFFFFFF  }
0xc2: {  	_ =	task.clear_ibuf [dreg:s7], $0x2FFFF;
	_ =	strace $0x9FFFFFFF  }
0xc3: {  	(tm) =	ssettm $0x7FFFFFFF  }
tec
execute0_lowered:
.L_overlay_start_1:
0x0: {  	(tag) =	ssettag $0x1  }
0x1: {  	s3 =	rddreg [dreg:$0x0]  }
0x2: {  	s5 =	rddreg [dreg:$0x1]  }
0x3: {  	s1 =	rddreg [dreg:$0x2]  }
0x4: {  	s0 =	rddreg [dreg:$0x3]  }
0x5: {  	s2 =	simm.s32 $0x0;
	s4 =	srdreg.scid;
	s7 =	stileid.u32  }
0x6: {  	s11 =	simm.s32 $0x0;
	[smem:$0x7FF] =	sst s2;
	s4 =	sand.u32 $0x1, s4  }
0x7: {  	s10 =	sshll.u32 s7, $0xC;
	p0 =	sne.s32 s7, $0x0;
	s7 =	simm.s32 $0x1  }
0x8: {  	_ =	strace $0x80000047;
	s6 =	sshll.u32 s4, $0xB;
	s8 =	ssub.s32 $0x2, s4  }
0x9: {  	s31 =	sshll.u32 s4, $0x4;
	s6 =	sadd.s32 s6, s3;
	s9 =	sshrl.u32 s8, $0x1  }
0xa: {  	s3 =	sadd.s32 $0x1BA00, s3;
	s5 =	sadd.s32 s5, s31;
	s8 =	ssub.s32 s8, s9  }
0xb: {  	s6 =	sadd.s32 s10, s6;
	s9 =	simm.s32 $0x50;
	s10 =	simm.s32 $0x4000  }
0xc: {  	v0 =	vimm.f32 $1.000000000e+00;
	s4 =	sadd.s32 $0xBA00, s6;
	s6 =	smax.u32 s8, $0x1;
	s8 =	sshrl.u32 @!p0 s1, $0x3  }
.LBB2_1:
0xd: {  	[tilespmem:s2], [sflag:$0x1] =	stream.linear.gather [hbm4b:s4+s2], $0x3E80, $0x38;
	[tilespmem:$0x42F8] =	vst v63  }
0xe: {  	_ =	swait.ge [sflag:s7], $0x3E80  }
0xf: {  	[sflag:s7] =	ssyncset.done $0x0  }
0x10: {  	[sflag:s7] =	ssyncadd.s32 $0xFFFFC180  }
0x11: {  	[tilespmem:$0x4000] =	vst v0  }
0x12: {  	[tilespmem:$0x4010] =	vst v0  }
0x13: {  	[tilespmem:$0x4020] =	vst v0  }
0x14: {  	[tilespmem:$0x4030] =	vst v0  }
0x15: {  	s12 =	simm.s32 @!p0 $0x1C01;
	[tilespmem:$0x4040] =	vst v0  }
0x16: {  	[spmem:s8], [sflag:s12] =	dma.local @!p0 [hbm:s3], $0x4F0  }
0x17: {  	s12 =	simm.s32 @!p0 $0x1  }
0x18: {  	_ =	swait.ge @!p0 [sflag:s12], $0x4F0  }
0x19: {  	[sflag:s12] =	ssyncset.done @!p0 $0x0  }
0x1a: {  	[sflag:s12] =	ssyncadd.s32 @!p0 $0xFFFFFB10  }
0x1b: {  	s31 =	simm.s32 $0x0;
	[bflag:$0x0] =	sbarrier.arrive $0xFFFF  }
0x1c: {  	[spmem:s1] =	stream.indirect.scatter.add.f32 [tilespmem:s10], [sflag:$0x1], $0x1, s31, s9, $0xb8;
	[tilespmem:$0x42F8] =	vst v63  }
0x1d: {  	_ =	swait.ge [sflag:s7], $0x50  }
0x1e: {  	s12 =	simm.s32 $0x200;
	[sflag:s7] =	ssyncset.done $0x0  }
.LBB2_2:
0x1f: {  	s13 =	sshra.s32 s12, $0x2;
	[sflag:s7] =	ssyncadd.s32 $0xFFFFFFB0;
	p1 =	sne.s32 s12, $0xF800  }
0x20: {  	[spmem:s1] =	stream.indirect.scatter.add.f32 [tilespmem:s10], [sflag:$0x1], $0x1, s13, s9, $0xb8;
	[tilespmem:$0x42F8] =	vst v63  }
.Ltmp0:
0x21: {  	_ = 	snop;
	(pc) =	sbr.rel @p1 .LBB2_2-.Ltmp0, $4  }
0x22: {  	_ = 	snop  }
0x23: {  	s12 =	sadd.s32 $0x200, s12  }
0x24: {  	_ =	swait.ge [sflag:s7], $0x50  }
0x25: {  	[sflag:s7] =	ssyncset.done $0x0  }
0x26: {  	[sflag:s7] =	ssyncadd.s32 $0xFFFFFFB0;
	s12 =	simm.s32 @!p0 $0x1;
	s11 =	sadd.s32 $0x1, s11  }
0x27: {  	s13 =	simm.s32 @!p0 $0x20;
	s14 =	simm.s32 @!p0 $0x10;
	p1 =	sne.s32 s11, s6  }
.Ltmp1:
0x28: {  	s15 =	simm.s32 @!p0 $0x1C01;
	[bflag:$0x0] =	sbarrier.arrive $0xFFFF;
	(pc) =	sbr.rel @p1 .LBB2_1-.Ltmp1, $4  }
0x29: {  	[hbm:s5@s13], [sflag:s15] =	dma.strided @!p0 [spmem:s8@s14], $0x4F0, s12, $0x10   }
0x2a: {  	_ =	swait.ge @!p0 [sflag:s12], $0x4F0  }
0x2b: {  	[sflag:s12] =	ssyncset.done @!p0 $0x0  }
0x2c: {  	[sflag:s12] =	ssyncadd.s32 @!p0 $0xFFFFFB10  }
0x2d: {  	_ =	sfence.sel $0x180000  }
0x2e: {  	[bflag:$0x0] =	sbarrier.arrive $0xFFFF  }
0x2f: {  	_ =	strace $0x90000047  }
0x30: {  	s0 =	sadd.s32 @!p0 $0x100000, s0;
	[bflag:$0x2] =	sbarrier.arrive $0xFFFF  }
0x31: {  	[sflag:s0] =	ssyncadd.tile.s32 @!p0 $0x1;
	_ =	shalt  }
.Lfunc_end2:
_tile_overlayer_lowered:
.L_overlay_start_2:
0x32: {  	(tag) =	ssettag $0x2  }
0x33: {  	s0 =	rddreg [dreg:$0x0];
	s2 =	stileid.u32  }
0x34: {  	s1 =	rddreg [dreg:$0x1];
	p0 =	sne.s32 s2, $0x0  }
0x35: {  	s3 =	rddreg [dreg:$0x2];
	[bflag:$0x3] =	sbarrier.arrive $0xFFFF;
	s2 =	simm.s32 @!p0 $0x1C01  }
0x36: {  	[timem:s3], [sflag:s2] =	dma.local @!p0 [hbm:s0], s1  }
0x37: {  	s0 =	simm.s32 @!p0 $0x1  }
0x38: {  	_ =	swait.ge @!p0 [sflag:s0], s1  }
0x39: {  	s1 =	ssub.s32 @!p0 $0x0, s1;
	[sflag:s0] =	ssyncset.done @!p0 $0x0  }
0x3a: {  	[sflag:s0] =	ssyncadd.s32 @!p0 s1  }
0x3b: {  	[bflag:$0x3] =	sbarrier.arrive $0xFFFF  }
0x3c: {  	_ =	shalt  }

</sc_bundles>
